<compile_context>
chip_gen: v7x
topology: tpu7x:2x2x1
jax: 0.10.2.dev20260603
libtpu: 0.0.44.dev20260713+nightly
codegen_flags: <defaults>
</compile_context>

<pallas_src>
import functools

import jax
import jax.numpy as jnp
from jax import lax
from jax.experimental import pallas as pl
from jax.experimental.pallas import tpu as pltpu
from jax.experimental.pallas import tpu_sc as plsc

N = 10000
E = 320000
D = 128
A = 64

NC = 2
NS = 16
NW = NC * NS
E_PER_TILE = 10240
CHUNK = 80
STEPS = E_PER_TILE // CHUNK
E_PAD = NW * E_PER_TILE
NP = 10240
DB = NP // D
ROWS_PER_TILE = NP // NS


def _prep_body(x_ref, wo_ref, bo_ref, wa_ref, ba_ref, y_ref, p_ref):
    x = x_ref[...]
    h = lax.dot_general(x, wo_ref[...], (((1,), (1,)), ((), ())),
                        preferred_element_type=jnp.float32)
    h = h + bo_ref[...]
    s = jnp.sum(h * wa_ref[...], axis=1, keepdims=True) + ba_ref[0, 0]
    p = jnp.exp(s - jnp.max(s))
    y_ref[...] = x * p
    p_ref[...] = p


_prep = pl.pallas_call(
    _prep_body,
    out_shape=(jax.ShapeDtypeStruct((N, D), jnp.float32),
               jax.ShapeDtypeStruct((N, 1), jnp.float32)),
)


def _edge_body(y_hbm, p_hbm, src_hbm, dst_hbm, zeros_hbm, out_hbm,
               src_v, dst_v, src_w, dst_w, rows_v, rows_w, p_v, den_v, didx_v,
               accum_sh, sem, semr1, semis0, semid0, semis1, semid1):
    c = lax.axis_index("c")
    s = lax.axis_index("s")
    wid = s * NC + c

    pltpu.sync_copy(p_hbm, p_v)

    zero16 = jnp.zeros((16,), jnp.float32)
    lane = lax.iota(jnp.int32, 16)

    def zbody(i, carry):
        r = i // 8
        col = (i % 8) * 16
        den_v[r, pl.ds(col, 16)] = zero16
        return carry

    lax.fori_loop(0, DB * 8, zbody, 0)
    for g in range(DB // 16):
        didx_v[pl.ds(g * 16, 16)] = N + g * 16 + lane

    r0 = s * ROWS_PER_TILE
    pltpu.sync_copy(zeros_hbm.at[pl.ds(r0, ROWS_PER_TILE)],
                    accum_sh.at[pl.ds(r0, ROWS_PER_TILE)])
    plsc.subcore_barrier()

    base = pl.multiple_of(wid * E_PER_TILE, 8)

    def eslice(hbm, g):
        return hbm.at[pl.ds(pl.multiple_of(base + g * CHUNK, 8), CHUNK)]

    def idx_fetch(g, sv, dv, semis, semid):
        pltpu.async_copy(eslice(src_hbm, g), sv, semis)
        pltpu.async_copy(eslice(dst_hbm, g), dv, semid)

    def idx_wait(g, sv, dv, semis, semid):
        pltpu.make_async_copy(eslice(src_hbm, g), sv, semis).wait()
        pltpu.make_async_copy(eslice(dst_hbm, g), dv, semid).wait()

    def den_update(sv, dv):
        for i in range(CHUNK // 16):
            s16 = sv[pl.ds(i * 16, 16)]
            d16 = dv[pl.ds(i * 16, 16)]
            p16 = plsc.load_gather(p_v, [s16])
            drow = lax.shift_right_logical(d16, 7)
            dcol = lax.bitwise_and(d16, 127)
            plsc.addupdate_scatter(den_v, [drow, dcol], p16)

    PAIRS = STEPS // 2
    idx_fetch(0, src_v, dst_v, semis0, semid0)
    idx_wait(0, src_v, dst_v, semis0, semid0)
    pltpu.async_copy(y_hbm.at[src_v], rows_v, sem)
    idx_fetch(1, src_w, dst_w, semis1, semid1)

    def body(h, carry):
        g0 = h * 2
        idx_wait(g0 + 1, src_w, dst_w, semis1, semid1)
        pltpu.async_copy(y_hbm.at[src_w], rows_w, semr1)
        den_update(src_v, dst_v)
        pltpu.make_async_copy(y_hbm.at[src_v], rows_v, sem).wait()
        pltpu.sync_copy(rows_v, accum_sh.at[dst_v], add=True)

        @pl.when(h + 1 < PAIRS)
        def _():
            idx_fetch(g0 + 2, src_v, dst_v, semis0, semid0)

        den_update(src_w, dst_w)
        pltpu.make_async_copy(y_hbm.at[src_w], rows_w, semr1).wait()
        pltpu.sync_copy(rows_w, accum_sh.at[dst_w], add=True)

        @pl.when(h + 1 < PAIRS)
        def _():
            idx_wait(g0 + 2, src_v, dst_v, semis0, semid0)
            pltpu.async_copy(y_hbm.at[src_v], rows_v, sem)
            idx_fetch(g0 + 3, src_w, dst_w, semis1, semid1)

        return carry

    lax.fori_loop(0, PAIRS, body, 0)

    pltpu.sync_copy(den_v, accum_sh.at[didx_v], add=True)
    plsc.subcore_barrier()

    o0 = pl.multiple_of(c * NP + r0, 8)
    pltpu.sync_copy(accum_sh.at[pl.ds(r0, ROWS_PER_TILE)],
                    out_hbm.at[pl.ds(o0, ROWS_PER_TILE)])


_edge_pass = functools.partial(
    pl.kernel,
    out_type=jax.ShapeDtypeStruct((NC * NP, D), jnp.float32),
    mesh=plsc.VectorSubcoreMesh(core_axis_name="c", subcore_axis_name="s"),
    compiler_params=pltpu.CompilerParams(needs_layout_passes=False),
    scratch_types=[
        pltpu.VMEM((CHUNK,), jnp.int32),
        pltpu.VMEM((CHUNK,), jnp.int32),
        pltpu.VMEM((CHUNK,), jnp.int32),
        pltpu.VMEM((CHUNK,), jnp.int32),
        pltpu.VMEM((CHUNK, D), jnp.float32),
        pltpu.VMEM((CHUNK, D), jnp.float32),
        pltpu.VMEM((N,), jnp.float32),
        pltpu.VMEM((DB, D), jnp.float32),
        pltpu.VMEM((DB,), jnp.int32),
        pltpu.VMEM_SHARED((NP, D), jnp.float32),
        pltpu.SemaphoreType.DMA,
        pltpu.SemaphoreType.DMA,
        pltpu.SemaphoreType.DMA,
        pltpu.SemaphoreType.DMA,
        pltpu.SemaphoreType.DMA,
        pltpu.SemaphoreType.DMA,
    ],
)(_edge_body)


def _finalize_body(pp_ref, o_ref):
    accf = pp_ref[0] + pp_ref[1]
    den = accf[N:N + DB]
    recip = 1.0 / jnp.where(den > 0.0, den, 1.0)
    eye = (lax.broadcasted_iota(jnp.int32, (D, D), 0)
           == lax.broadcasted_iota(jnp.int32, (D, D), 1)).astype(jnp.float32)
    for b in range(N // D + 1):
        nrows = min(D, N - b * D)
        diag = eye * recip[b:b + 1]
        blk = lax.dot_general(diag, accf[b * D:(b + 1) * D],
                              (((1,), (0,)), ((), ())),
                              preferred_element_type=jnp.float32)
        o_ref[pl.ds(b * D, nrows)] = blk[:nrows]


_finalize = pl.pallas_call(
    _finalize_body,
    out_shape=jax.ShapeDtypeStruct((N, D), jnp.float32),
)


def kernel(x, edge_index, W_o, b_o, W_a, b_a):
    src = edge_index[0]
    dst = edge_index[1]
    pad = E_PAD - E
    ar = jnp.arange(pad, dtype=jnp.int32)
    srcp = jnp.concatenate([src, ar % N])
    dstp = jnp.concatenate([dst, N + DB + ar % (NP - N - DB)])
    y, p = _prep(x, W_o, b_o.reshape(1, A), W_a, b_a.reshape(1, 1))
    zeros = jnp.zeros((NP, D), jnp.float32)
    partials = _edge_pass(y, p.reshape(N), srcp, dstp, zeros)
    return _finalize(partials.reshape(NC, NP, D))

# --- scband reference (transcript-rebuilt; emitter-appended) ---
"""Pipeline reference for scband-review-aggregator-conv-11433202942499 (READ-ONLY COPY).

The authoritative reference and input builder live on the scoring server;
editing this copy changes nothing except your own understanding.
"""

import jax, jax.numpy as jnp
import numpy as np

N, E, D, A = 10000, 320000, 128, 64

def setup_inputs(seed: int = 0):
    key = jax.random.key(seed)
    k1, k2, k3, k4, k5, k6 = jax.random.split(key, 6)
    x = jax.random.normal(k1, (N, D), dtype=jnp.float32)
    edge_index = jax.random.randint(k2, (2, E), 0, N, dtype=jnp.int32)
    # Linear params (torch nn.Linear style: W [out,in], b [out])
    lim_o = 1.0 / np.sqrt(D)
    W_o = jax.random.uniform(k3, (A, D), dtype=jnp.float32, minval=-lim_o, maxval=lim_o)
    b_o = jax.random.uniform(k4, (A,), dtype=jnp.float32, minval=-lim_o, maxval=lim_o)
    lim_a = 1.0 / np.sqrt(A)
    W_a = jax.random.uniform(k5, (1, A), dtype=jnp.float32, minval=-lim_a, maxval=lim_a)
    b_a = jax.random.uniform(k6, (1,), dtype=jnp.float32, minval=-lim_a, maxval=lim_a)
    return {"x": x, "edge_index": edge_index, "W_o": W_o, "b_o": b_o, "W_a": W_a, "b_a": b_a}

def reference(x, edge_index, W_o, b_o, W_a, b_a):
    # Homogeneous-graph translation of ReviewAggregatorConv (single etype):
    # a = att(w_o(x)) per src node; edge attention = a[src]; edge_softmax over
    # incoming edges of each dst; out[dst] = sum_e alpha_e * h[src_e].
    src = edge_index[0]
    dst = edge_index[1]
    n = x.shape[0]
    a_node = x @ W_o.T + b_o            # [N, A]
    a_node = a_node @ W_a.T + b_a        # [N, 1]
    e = jnp.take(a_node[:, 0], src)      # [E]
    # numerically-stable edge softmax per dst node
    seg_max = jax.ops.segment_max(e, dst, num_segments=n)
    seg_max = jnp.where(jnp.isfinite(seg_max), seg_max, 0.0)
    ex = jnp.exp(e - jnp.take(seg_max, dst))
    seg_sum = jax.ops.segment_sum(ex, dst, num_segments=n)
    denom = jnp.where(seg_sum > 0, seg_sum, 1.0)
    alpha = ex / jnp.take(denom, dst)    # [E]
    msg = jnp.take(x, src, axis=0) * alpha[:, None]  # [E, D]
    out = jax.ops.segment_sum(msg, dst, num_segments=n)  # [N, D]
    # multi_update_all(..., 'mean') over a single etype == identity
    return out

if __name__ == "__main__":
    import jax
    _d = setup_inputs()
    print(jax.jit(kernel)(*tuple(_d.values())))

</pallas_src>

<mosaic_0001>
#map = affine_map<(d0, d1) -> (0, 0)>
#map1 = affine_map<(d0, d1) -> (0)>
module attributes {stable_mosaic.version = 14 : i64} {
  func.func @_edge_body(%arg0: i32, %arg1: i32, %arg2: memref<10000x128xf32, #tpu.memory_space<hbm>>, %arg3: memref<10000xf32, #tpu.memory_space<hbm>>, %arg4: memref<327680xi32, #tpu.memory_space<hbm>>, %arg5: memref<327680xi32, #tpu.memory_space<hbm>>, %arg6: memref<10240x128xf32, #tpu.memory_space<hbm>>, %arg7: memref<20480x128xf32, #tpu.memory_space<hbm>>, %arg8: memref<80xi32, #tpu.memory_space<vmem>>, %arg9: memref<80xi32, #tpu.memory_space<vmem>>, %arg10: memref<80xi32, #tpu.memory_space<vmem>>, %arg11: memref<80xi32, #tpu.memory_space<vmem>>, %arg12: memref<80x128xf32, #tpu.memory_space<vmem>>, %arg13: memref<80x128xf32, #tpu.memory_space<vmem>>, %arg14: memref<10000xf32, #tpu.memory_space<vmem>>, %arg15: memref<80x128xf32, #tpu.memory_space<vmem>>, %arg16: memref<80xi32, #tpu.memory_space<vmem>>, %arg17: memref<10240x128xf32, #tpu.memory_space<vmem_shared>>, %arg18: memref<!tpu.dma_semaphore, #tpu.memory_space<semaphore_mem>>, %arg19: memref<!tpu.dma_semaphore, #tpu.memory_space<semaphore_mem>>, %arg20: memref<!tpu.dma_semaphore, #tpu.memory_space<semaphore_mem>>, %arg21: memref<!tpu.dma_semaphore, #tpu.memory_space<semaphore_mem>>, %arg22: memref<!tpu.dma_semaphore, #tpu.memory_space<semaphore_mem>>, %arg23: memref<!tpu.dma_semaphore, #tpu.memory_space<semaphore_mem>>) attributes {dimension_semantics = [#tpu.dimension_semantics<core_parallel>, #tpu.dimension_semantics<subcore_parallel>], iteration_bounds = array<i64: 2, 16>, scalar_prefetch = 0 : i64, scratch_operands = 16 : i64, tpu.core_type = #tpu.core_type<sc_vector_subcore>, window_params = [{transform_indices = #map}, {transform_indices = #map1}, {transform_indices = #map1}, {transform_indices = #map1}, {transform_indices = #map}, {transform_indices = #map}]} {
    %mul3A = arith.constant 2 : i32
    %mul3A_0 = arith.muli %arg1, %mul3A : i32
    %add3A = arith.addi %mul3A_0, %arg0 : i32
    "tpu.region"() ({
      %run_scoped3A = tpu.sem_alloc : memref<!tpu.dma_semaphore, #tpu.memory_space<semaphore_mem>>
      tpu.enqueue_dma source(%arg3 : memref<10000xf32, #tpu.memory_space<hbm>>) target(%arg14 : memref<10000xf32, #tpu.memory_space<vmem>>) target_semaphore(%run_scoped3A : memref<!tpu.dma_semaphore, #tpu.memory_space<semaphore_mem>>)
      tpu.wait_dma2 semaphore(%run_scoped3A : memref<!tpu.dma_semaphore, #tpu.memory_space<semaphore_mem>>) src(%arg3 : memref<10000xf32, #tpu.memory_space<hbm>>) dst(%arg14 : memref<10000xf32, #tpu.memory_space<vmem>>)
      tpu.yield
    }) : () -> ()
    %broadcast_in_dim3A = arith.constant 0.000000e+00 : f32
    %broadcast_in_dim3A_1 = vector.broadcast %broadcast_in_dim3A : f32 to vector<16xf32>
    %iota3A = tpu.iota {dimensions = array<i32: 0>} : vector<16xi32>
    %scan3A = arith.constant 0 : i32
    %scan3A_2 = arith.constant 0 : i32
    %scan3A_3 = arith.constant 640 : i32
    %scan3A_4 = arith.addi %scan3A_2, %scan3A_3 : i32
    %scan3A_5 = arith.constant 1 : i32
    scf.for %scan3A_77 = %scan3A_2 to %scan3A_4 step %scan3A_5  : i32 {
      %jit3A = arith.constant 8 : i32
      %div3A = arith.divsi %scan3A_77, %jit3A : i32
      %sign3A = arith.constant 0 : i32
      %sign3A_78 = arith.cmpi sgt, %scan3A_77, %sign3A : i32
      %sign3A_79 = arith.extui %sign3A_78 : i1 to i32
      %sign3A_80 = arith.constant 0 : i32
      %sign3A_81 = arith.cmpi slt, %scan3A_77, %sign3A_80 : i32
      %sign3A_82 = arith.extui %sign3A_81 : i1 to i32
      %sign3A_83 = arith.subi %sign3A_79, %sign3A_82 : i32
      %sign3A_84 = arith.constant 0 : i32
      %sign3A_85 = arith.cmpi sgt, %jit3A, %sign3A_84 : i32
      %sign3A_86 = arith.extui %sign3A_85 : i1 to i32
      %sign3A_87 = arith.constant 0 : i32
      %sign3A_88 = arith.cmpi slt, %jit3A, %sign3A_87 : i32
      %sign3A_89 = arith.extui %sign3A_88 : i1 to i32
      %sign3A_90 = arith.subi %sign3A_86, %sign3A_89 : i32
      %ne3A = arith.cmpi ne, %sign3A_83, %sign3A_90 : i32
      %rem3A = arith.remsi %scan3A_77, %jit3A : i32
      %ne3A_91 = arith.constant 0 : i32
      %ne3A_92 = arith.cmpi ne, %rem3A, %ne3A_91 : i32
      %and3A = arith.andi %ne3A, %ne3A_92 : i1
      %sub3A = arith.constant 1 : i32
      %sub3A_93 = arith.subi %div3A, %sub3A : i32
      %select_n3A = arith.select %and3A, %sub3A_93, %div3A : i32
      %jit3A_94 = arith.constant 8 : i32
      %eq3A = arith.constant 0 : i32
      %eq3A_95 = arith.cmpi eq, %jit3A_94, %eq3A : i32
      %jit3A_96 = arith.constant 1 : i32
      %select_n3A_97 = arith.select %eq3A_95, %jit3A_96, %jit3A_94 : i32
      %rem3A_98 = arith.remsi %scan3A_77, %select_n3A_97 : i32
      %ne3A_99 = arith.constant 0 : i32
      %ne3A_100 = arith.cmpi ne, %rem3A_98, %ne3A_99 : i32
      %lt3A = arith.constant 0 : i32
      %lt3A_101 = arith.cmpi slt, %rem3A_98, %lt3A : i32
      %lt3A_102 = arith.constant 0 : i32
      %lt3A_103 = arith.cmpi slt, %select_n3A_97, %lt3A_102 : i32
      %ne3A_104 = arith.xori %lt3A_101, %lt3A_103 : i1
      %and3A_105 = arith.andi %ne3A_104, %ne3A_100 : i1
      %add3A_106 = arith.addi %rem3A_98, %select_n3A_97 : i32
      %select_n3A_107 = arith.select %and3A_105, %add3A_106, %rem3A_98 : i32
      %mul3A_108 = arith.constant 16 : i32
      %mul3A_109 = arith.muli %select_n3A_107, %mul3A_108 : i32
      %swap3A_110 = arith.index_cast %select_n3A : i32 to index
      %swap3A_111 = arith.index_cast %mul3A_109 : i32 to index
      %swap3A_112 = tpu.vector_load %arg15[%swap3A_110, %swap3A_111] {strides = array<i32>} : memref<80x128xf32, #tpu.memory_space<vmem>>, vector<16xf32>,
      tpu.vector_store %arg15[%swap3A_110, %swap3A_111], %broadcast_in_dim3A_1 {strides = array<i32>} : memref<80x128xf32, #tpu.memory_space<vmem>>, vector<16xf32>,
    }
    %scan3A_6 = arith.constant 640 : i32
    %add3A_7 = arith.constant 10000 : i32
    %add3A_8 = vector.broadcast %add3A_7 : i32 to vector<16xi32>
    %add3A_9 = arith.addi %add3A_8, %iota3A : vector<16xi32>
    %swap3A = arith.constant 0 : index
    %swap3A_10 = tpu.vector_load %arg16[%swap3A] {strides = array<i32>} : memref<80xi32, #tpu.memory_space<vmem>>, vector<16xi32>,
    tpu.vector_store %arg16[%swap3A], %add3A_9 {strides = array<i32>} : memref<80xi32, #tpu.memory_space<vmem>>, vector<16xi32>,
    %add3A_11 = arith.constant 10016 : i32
    %add3A_12 = vector.broadcast %add3A_11 : i32 to vector<16xi32>
    %add3A_13 = arith.addi %add3A_12, %iota3A : vector<16xi32>
    %swap3A_14 = arith.constant 16 : index
    %swap3A_15 = tpu.vector_load %arg16[%swap3A_14] {strides = array<i32>} : memref<80xi32, #tpu.memory_space<vmem>>, vector<16xi32>,
    tpu.vector_store %arg16[%swap3A_14], %add3A_13 {strides = array<i32>} : memref<80xi32, #tpu.memory_space<vmem>>, vector<16xi32>,
    %add3A_16 = arith.constant 10032 : i32
    %add3A_17 = vector.broadcast %add3A_16 : i32 to vector<16xi32>
    %add3A_18 = arith.addi %add3A_17, %iota3A : vector<16xi32>
    %swap3A_19 = arith.constant 32 : index
    %swap3A_20 = tpu.vector_load %arg16[%swap3A_19] {strides = array<i32>} : memref<80xi32, #tpu.memory_space<vmem>>, vector<16xi32>,
    tpu.vector_store %arg16[%swap3A_19], %add3A_18 {strides = array<i32>} : memref<80xi32, #tpu.memory_space<vmem>>, vector<16xi32>,
    %add3A_21 = arith.constant 10048 : i32
    %add3A_22 = vector.broadcast %add3A_21 : i32 to vector<16xi32>
    %add3A_23 = arith.addi %add3A_22, %iota3A : vector<16xi32>
    %swap3A_24 = arith.constant 48 : index
    %swap3A_25 = tpu.vector_load %arg16[%swap3A_24] {strides = array<i32>} : memref<80xi32, #tpu.memory_space<vmem>>, vector<16xi32>,
    tpu.vector_store %arg16[%swap3A_24], %add3A_23 {strides = array<i32>} : memref<80xi32, #tpu.memory_space<vmem>>, vector<16xi32>,
    %add3A_26 = arith.constant 10064 : i32
    %add3A_27 = vector.broadcast %add3A_26 : i32 to vector<16xi32>
    %add3A_28 = arith.addi %add3A_27, %iota3A : vector<16xi32>
    %swap3A_29 = arith.constant 64 : index
    %swap3A_30 = tpu.vector_load %arg16[%swap3A_29] {strides = array<i32>} : memref<80xi32, #tpu.memory_space<vmem>>, vector<16xi32>,
    tpu.vector_store %arg16[%swap3A_29], %add3A_28 {strides = array<i32>} : memref<80xi32, #tpu.memory_space<vmem>>, vector<16xi32>,
    %mul3A_31 = arith.constant 640 : i32
    %mul3A_32 = arith.muli %arg1, %mul3A_31 : i32
    "tpu.region"() ({
      %run_scoped3A = tpu.sem_alloc : memref<!tpu.dma_semaphore, #tpu.memory_space<semaphore_mem>>
      %dma_start3A_77 = arith.constant 0 : i32
      %dma_start3A_78 = tpu.memref_slice %arg17[%mul3A_32, %dma_start3A_77] : memref<10240x128xf32, #tpu.memory_space<vmem_shared>> -> memref<640x128xf32, #tpu.memory_space<vmem_shared>>
      %dma_start3A_79 = arith.constant 0 : i32
      %dma_start3A_80 = tpu.memref_slice %arg6[%mul3A_32, %dma_start3A_79] : memref<10240x128xf32, #tpu.memory_space<hbm>> -> memref<640x128xf32, #tpu.memory_space<hbm>>
      tpu.enqueue_dma source(%dma_start3A_80 : memref<640x128xf32, #tpu.memory_space<hbm>>) target(%dma_start3A_78 : memref<640x128xf32, #tpu.memory_space<vmem_shared>>) target_semaphore(%run_scoped3A : memref<!tpu.dma_semaphore, #tpu.memory_space<semaphore_mem>>)
      %dma_wait3A_81 = arith.constant 0 : i32
      %dma_wait3A_82 = tpu.memref_slice %arg17[%mul3A_32, %dma_wait3A_81] : memref<10240x128xf32, #tpu.memory_space<vmem_shared>> -> memref<640x128xf32, #tpu.memory_space<vmem_shared>>
      %dma_wait3A_83 = arith.constant 0 : i32
      %dma_wait3A_84 = tpu.memref_slice %arg6[%mul3A_32, %dma_wait3A_83] : memref<10240x128xf32, #tpu.memory_space<hbm>> -> memref<640x128xf32, #tpu.memory_space<hbm>>
      tpu.wait_dma2 semaphore(%run_scoped3A : memref<!tpu.dma_semaphore, #tpu.memory_space<semaphore_mem>>) src(%dma_wait3A_84 : memref<640x128xf32, #tpu.memory_space<hbm>>) dst(%dma_wait3A_82 : memref<640x128xf32, #tpu.memory_space<vmem_shared>>)
      tpu.yield
    }) : () -> ()
    %barrier3A = arith.constant 0 : index
    tpu.barrier barrier_id(%barrier3A)
    %mul3A_33 = arith.constant 10240 : i32
    %mul3A_34 = arith.muli %add3A, %mul3A_33 : i32
    %multiple_of3A = tpu.assume_multiple %mul3A_34, 8 : i32
    %add3A_35 = arith.constant 0 : i32
    %add3A_36 = arith.addi %multiple_of3A, %add3A_35 : i32
    %multiple_of3A_37 = tpu.assume_multiple %add3A_36, 8 : i32
    %dma_start3A = tpu.memref_slice %arg4[%multiple_of3A_37] : memref<327680xi32, #tpu.memory_space<hbm>> -> memref<80xi32, #tpu.memory_space<hbm>>
    %dma_start3A_38 = tpu.memref_slice %arg4[%multiple_of3A_37] : memref<327680xi32, #tpu.memory_space<hbm>> -> memref<80xi32, #tpu.memory_space<hbm>>
    tpu.enqueue_dma source(%dma_start3A_38 : memref<80xi32, #tpu.memory_space<hbm>>) target(%arg8 : memref<80xi32, #tpu.memory_space<vmem>>) target_semaphore(%arg20 : memref<!tpu.dma_semaphore, #tpu.memory_space<semaphore_mem>>)
    %add3A_39 = arith.constant 0 : i32
    %add3A_40 = arith.addi %multiple_of3A, %add3A_39 : i32
    %multiple_of3A_41 = tpu.assume_multiple %add3A_40, 8 : i32
    %dma_start3A_42 = tpu.memref_slice %arg5[%multiple_of3A_41] : memref<327680xi32, #tpu.memory_space<hbm>> -> memref<80xi32, #tpu.memory_space<hbm>>
    %dma_start3A_43 = tpu.memref_slice %arg5[%multiple_of3A_41] : memref<327680xi32, #tpu.memory_space<hbm>> -> memref<80xi32, #tpu.memory_space<hbm>>
    tpu.enqueue_dma source(%dma_start3A_43 : memref<80xi32, #tpu.memory_space<hbm>>) target(%arg9 : memref<80xi32, #tpu.memory_space<vmem>>) target_semaphore(%arg21 : memref<!tpu.dma_semaphore, #tpu.memory_space<semaphore_mem>>)
    %add3A_44 = arith.constant 0 : i32
    %add3A_45 = arith.addi %multiple_of3A, %add3A_44 : i32
    %multiple_of3A_46 = tpu.assume_multiple %add3A_45, 8 : i32
    %dma_wait3A = tpu.memref_slice %arg4[%multiple_of3A_46] : memref<327680xi32, #tpu.memory_space<hbm>> -> memref<80xi32, #tpu.memory_space<hbm>>
    %dma_wait3A_47 = tpu.memref_slice %arg4[%multiple_of3A_46] : memref<327680xi32, #tpu.memory_space<hbm>> -> memref<80xi32, #tpu.memory_space<hbm>>
    tpu.wait_dma2 semaphore(%arg20 : memref<!tpu.dma_semaphore, #tpu.memory_space<semaphore_mem>>) src(%dma_wait3A_47 : memref<80xi32, #tpu.memory_space<hbm>>) dst(%arg8 : memref<80xi32, #tpu.memory_space<vmem>>)
    %add3A_48 = arith.constant 0 : i32
    %add3A_49 = arith.addi %multiple_of3A, %add3A_48 : i32
    %multiple_of3A_50 = tpu.assume_multiple %add3A_49, 8 : i32
    %dma_wait3A_51 = tpu.memref_slice %arg5[%multiple_of3A_50] : memref<327680xi32, #tpu.memory_space<hbm>> -> memref<80xi32, #tpu.memory_space<hbm>>
    %dma_wait3A_52 = tpu.memref_slice %arg5[%multiple_of3A_50] : memref<327680xi32, #tpu.memory_space<hbm>> -> memref<80xi32, #tpu.memory_space<hbm>>
    tpu.wait_dma2 semaphore(%arg21 : memref<!tpu.dma_semaphore, #tpu.memory_space<semaphore_mem>>) src(%dma_wait3A_52 : memref<80xi32, #tpu.memory_space<hbm>>) dst(%arg9 : memref<80xi32, #tpu.memory_space<vmem>>)
    %dma_start3A_53 = arith.constant 0 : i32
    %dma_start3A_54 = arith.constant 0 : i32
    %dma_start3A_55 = tpu.memref_slice %arg2[%dma_start3A_53, %dma_start3A_54] : memref<10000x128xf32, #tpu.memory_space<hbm>> -> memref<10000x128xf32, #tpu.memory_space<hbm>>
    tpu.enqueue_indirect_dma source(%dma_start3A_55 : memref<10000x128xf32, #tpu.memory_space<hbm>>) target(%arg12 : memref<80x128xf32, #tpu.memory_space<vmem>>) offsets(%arg8 : memref<80xi32, #tpu.memory_space<vmem>>) semaphore(%arg18 : memref<!tpu.dma_semaphore, #tpu.memory_space<semaphore_mem>>)
    %add3A_56 = arith.constant 80 : i32
    %add3A_57 = arith.addi %multiple_of3A, %add3A_56 : i32
    %multiple_of3A_58 = tpu.assume_multiple %add3A_57, 8 : i32
    %dma_start3A_59 = tpu.memref_slice %arg4[%multiple_of3A_58] : memref<327680xi32, #tpu.memory_space<hbm>> -> memref<80xi32, #tpu.memory_space<hbm>>
    %dma_start3A_60 = tpu.memref_slice %arg4[%multiple_of3A_58] : memref<327680xi32, #tpu.memory_space<hbm>> -> memref<80xi32, #tpu.memory_space<hbm>>
    tpu.enqueue_dma source(%dma_start3A_60 : memref<80xi32, #tpu.memory_space<hbm>>) target(%arg10 : memref<80xi32, #tpu.memory_space<vmem>>) target_semaphore(%arg22 : memref<!tpu.dma_semaphore, #tpu.memory_space<semaphore_mem>>)
    %add3A_61 = arith.constant 80 : i32
    %add3A_62 = arith.addi %multiple_of3A, %add3A_61 : i32
    %multiple_of3A_63 = tpu.assume_multiple %add3A_62, 8 : i32
    %dma_start3A_64 = tpu.memref_slice %arg5[%multiple_of3A_63] : memref<327680xi32, #tpu.memory_space<hbm>> -> memref<80xi32, #tpu.memory_space<hbm>>
    %dma_start3A_65 = tpu.memref_slice %arg5[%multiple_of3A_63] : memref<327680xi32, #tpu.memory_space<hbm>> -> memref<80xi32, #tpu.memory_space<hbm>>
    tpu.enqueue_dma source(%dma_start3A_65 : memref<80xi32, #tpu.memory_space<hbm>>) target(%arg11 : memref<80xi32, #tpu.memory_space<vmem>>) target_semaphore(%arg23 : memref<!tpu.dma_semaphore, #tpu.memory_space<semaphore_mem>>)
    %scan3A_66 = arith.constant 0 : i32
    %scan3A_67 = arith.constant 0 : i32
    %scan3A_68 = arith.constant 64 : i32
    %scan3A_69 = arith.addi %scan3A_67, %scan3A_68 : i32
    %scan3A_70 = arith.constant 1 : i32
    scf.for %scan3A_77 = %scan3A_67 to %scan3A_69 step %scan3A_70  : i32 {
      %mul3A_78 = arith.constant 2 : i32
      %mul3A_79 = arith.muli %scan3A_77, %mul3A_78 : i32
      %add3A_80 = arith.constant 1 : i32
      %add3A_81 = arith.addi %mul3A_79, %add3A_80 : i32
      %mul3A_82 = arith.constant 80 : i32
      %mul3A_83 = arith.muli %add3A_81, %mul3A_82 : i32
      %add3A_84 = arith.addi %multiple_of3A, %mul3A_83 : i32
      %multiple_of3A_85 = tpu.assume_multiple %add3A_84, 8 : i32
      %dma_wait3A_86 = tpu.memref_slice %arg4[%multiple_of3A_85] : memref<327680xi32, #tpu.memory_space<hbm>> -> memref<80xi32, #tpu.memory_space<hbm>>
      %dma_wait3A_87 = tpu.memref_slice %arg4[%multiple_of3A_85] : memref<327680xi32, #tpu.memory_space<hbm>> -> memref<80xi32, #tpu.memory_space<hbm>>
      tpu.wait_dma2 semaphore(%arg22 : memref<!tpu.dma_semaphore, #tpu.memory_space<semaphore_mem>>) src(%dma_wait3A_87 : memref<80xi32, #tpu.memory_space<hbm>>) dst(%arg10 : memref<80xi32, #tpu.memory_space<vmem>>)
      %mul3A_88 = arith.constant 80 : i32
      %mul3A_89 = arith.muli %add3A_81, %mul3A_88 : i32
      %add3A_90 = arith.addi %multiple_of3A, %mul3A_89 : i32
      %multiple_of3A_91 = tpu.assume_multiple %add3A_90, 8 : i32
      %dma_wait3A_92 = tpu.memref_slice %arg5[%multiple_of3A_91] : memref<327680xi32, #tpu.memory_space<hbm>> -> memref<80xi32, #tpu.memory_space<hbm>>
      %dma_wait3A_93 = tpu.memref_slice %arg5[%multiple_of3A_91] : memref<327680xi32, #tpu.memory_space<hbm>> -> memref<80xi32, #tpu.memory_space<hbm>>
      tpu.wait_dma2 semaphore(%arg23 : memref<!tpu.dma_semaphore, #tpu.memory_space<semaphore_mem>>) src(%dma_wait3A_93 : memref<80xi32, #tpu.memory_space<hbm>>) dst(%arg11 : memref<80xi32, #tpu.memory_space<vmem>>)
      %dma_start3A_94 = arith.constant 0 : i32
      %dma_start3A_95 = arith.constant 0 : i32
      %dma_start3A_96 = tpu.memref_slice %arg2[%dma_start3A_94, %dma_start3A_95] : memref<10000x128xf32, #tpu.memory_space<hbm>> -> memref<10000x128xf32, #tpu.memory_space<hbm>>
      tpu.enqueue_indirect_dma source(%dma_start3A_96 : memref<10000x128xf32, #tpu.memory_space<hbm>>) target(%arg13 : memref<80x128xf32, #tpu.memory_space<vmem>>) offsets(%arg10 : memref<80xi32, #tpu.memory_space<vmem>>) semaphore(%arg19 : memref<!tpu.dma_semaphore, #tpu.memory_space<semaphore_mem>>)
      %get3A = arith.constant 0 : index
      %get3A_97 = tpu.vector_load %arg8[%get3A] {strides = array<i32>} : memref<80xi32, #tpu.memory_space<vmem>>, vector<16xi32>,
      %get3A_98 = arith.constant 0 : index
      %get3A_99 = tpu.vector_load %arg9[%get3A_98] {strides = array<i32>} : memref<80xi32, #tpu.memory_space<vmem>>, vector<16xi32>,
      %gather3A = tpu.vector_load_idx %arg14[%get3A_97] : memref<10000xf32, #tpu.memory_space<vmem>>[vector<16xi32>], vector<16xf32>,
      %shift_right_logical3A = arith.constant 7 : i32
      %shift_right_logical3A_100 = vector.broadcast %shift_right_logical3A : i32 to vector<16xi32>
      %shift_right_logical3A_101 = arith.shrui %get3A_99, %shift_right_logical3A_100 : vector<16xi32>
      %and3A = arith.constant 127 : i32
      %and3A_102 = vector.broadcast %and3A : i32 to vector<16xi32>
      %and3A_103 = arith.andi %get3A_99, %and3A_102 : vector<16xi32>
      tpu.vector_store_idx %arg15[%shift_right_logical3A_101, %and3A_103], %gather3A {add = true} : memref<80x128xf32, #tpu.memory_space<vmem>>[vector<16xi32>, vector<16xi32>], vector<16xf32>,
      %get3A_104 = arith.constant 16 : index
      %get3A_105 = tpu.vector_load %arg8[%get3A_104] {strides = array<i32>} : memref<80xi32, #tpu.memory_space<vmem>>, vector<16xi32>,
      %get3A_106 = arith.constant 16 : index
      %get3A_107 = tpu.vector_load %arg9[%get3A_106] {strides = array<i32>} : memref<80xi32, #tpu.memory_space<vmem>>, vector<16xi32>,
      %gather3A_108 = tpu.vector_load_idx %arg14[%get3A_105] : memref<10000xf32, #tpu.memory_space<vmem>>[vector<16xi32>], vector<16xf32>,
      %shift_right_logical3A_109 = arith.constant 7 : i32
      %shift_right_logical3A_110 = vector.broadcast %shift_right_logical3A_109 : i32 to vector<16xi32>
      %shift_right_logical3A_111 = arith.shrui %get3A_107, %shift_right_logical3A_110 : vector<16xi32>
      %and3A_112 = arith.constant 127 : i32
      %and3A_113 = vector.broadcast %and3A_112 : i32 to vector<16xi32>
      %and3A_114 = arith.andi %get3A_107, %and3A_113 : vector<16xi32>
      tpu.vector_store_idx %arg15[%shift_right_logical3A_111, %and3A_114], %gather3A_108 {add = true} : memref<80x128xf32, #tpu.memory_space<vmem>>[vector<16xi32>, vector<16xi32>], vector<16xf32>,
      %get3A_115 = arith.constant 32 : index
      %get3A_116 = tpu.vector_load %arg8[%get3A_115] {strides = array<i32>} : memref<80xi32, #tpu.memory_space<vmem>>, vector<16xi32>,
      %get3A_117 = arith.constant 32 : index
      %get3A_118 = tpu.vector_load %arg9[%get3A_117] {strides = array<i32>} : memref<80xi32, #tpu.memory_space<vmem>>, vector<16xi32>,
      %gather3A_119 = tpu.vector_load_idx %arg14[%get3A_116] : memref<10000xf32, #tpu.memory_space<vmem>>[vector<16xi32>], vector<16xf32>,
      %shift_right_logical3A_120 = arith.constant 7 : i32
      %shift_right_logical3A_121 = vector.broadcast %shift_right_logical3A_120 : i32 to vector<16xi32>
      %shift_right_logical3A_122 = arith.shrui %get3A_118, %shift_right_logical3A_121 : vector<16xi32>
      %and3A_123 = arith.constant 127 : i32
      %and3A_124 = vector.broadcast %and3A_123 : i32 to vector<16xi32>
      %and3A_125 = arith.andi %get3A_118, %and3A_124 : vector<16xi32>
      tpu.vector_store_idx %arg15[%shift_right_logical3A_122, %and3A_125], %gather3A_119 {add = true} : memref<80x128xf32, #tpu.memory_space<vmem>>[vector<16xi32>, vector<16xi32>], vector<16xf32>,
      %get3A_126 = arith.constant 48 : index
      %get3A_127 = tpu.vector_load %arg8[%get3A_126] {strides = array<i32>} : memref<80xi32, #tpu.memory_space<vmem>>, vector<16xi32>,
      %get3A_128 = arith.constant 48 : index
      %get3A_129 = tpu.vector_load %arg9[%get3A_128] {strides = array<i32>} : memref<80xi32, #tpu.memory_space<vmem>>, vector<16xi32>,
      %gather3A_130 = tpu.vector_load_idx %arg14[%get3A_127] : memref<10000xf32, #tpu.memory_space<vmem>>[vector<16xi32>], vector<16xf32>,
      %shift_right_logical3A_131 = arith.constant 7 : i32
      %shift_right_logical3A_132 = vector.broadcast %shift_right_logical3A_131 : i32 to vector<16xi32>
      %shift_right_logical3A_133 = arith.shrui %get3A_129, %shift_right_logical3A_132 : vector<16xi32>
      %and3A_134 = arith.constant 127 : i32
      %and3A_135 = vector.broadcast %and3A_134 : i32 to vector<16xi32>
      %and3A_136 = arith.andi %get3A_129, %and3A_135 : vector<16xi32>
      tpu.vector_store_idx %arg15[%shift_right_logical3A_133, %and3A_136], %gather3A_130 {add = true} : memref<80x128xf32, #tpu.memory_space<vmem>>[vector<16xi32>, vector<16xi32>], vector<16xf32>,
      %get3A_137 = arith.constant 64 : index
      %get3A_138 = tpu.vector_load %arg8[%get3A_137] {strides = array<i32>} : memref<80xi32, #tpu.memory_space<vmem>>, vector<16xi32>,
      %get3A_139 = arith.constant 64 : index
      %get3A_140 = tpu.vector_load %arg9[%get3A_139] {strides = array<i32>} : memref<80xi32, #tpu.memory_space<vmem>>, vector<16xi32>,
      %gather3A_141 = tpu.vector_load_idx %arg14[%get3A_138] : memref<10000xf32, #tpu.memory_space<vmem>>[vector<16xi32>], vector<16xf32>,
      %shift_right_logical3A_142 = arith.constant 7 : i32
      %shift_right_logical3A_143 = vector.broadcast %shift_right_logical3A_142 : i32 to vector<16xi32>
      %shift_right_logical3A_144 = arith.shrui %get3A_140, %shift_right_logical3A_143 : vector<16xi32>
      %and3A_145 = arith.constant 127 : i32
      %and3A_146 = vector.broadcast %and3A_145 : i32 to vector<16xi32>
      %and3A_147 = arith.andi %get3A_140, %and3A_146 : vector<16xi32>
      tpu.vector_store_idx %arg15[%shift_right_logical3A_144, %and3A_147], %gather3A_141 {add = true} : memref<80x128xf32, #tpu.memory_space<vmem>>[vector<16xi32>, vector<16xi32>], vector<16xf32>,
      %dma_wait3A_148 = arith.constant 0 : i32
      %dma_wait3A_149 = arith.constant 0 : i32
      %dma_wait3A_150 = tpu.memref_slice %arg2[%dma_wait3A_148, %dma_wait3A_149] : memref<10000x128xf32, #tpu.memory_space<hbm>> -> memref<10000x128xf32, #tpu.memory_space<hbm>>
      tpu.wait_indirect_dma semaphore(%arg18 : memref<!tpu.dma_semaphore, #tpu.memory_space<semaphore_mem>>) src(%dma_wait3A_150 : memref<10000x128xf32, #tpu.memory_space<hbm>>) dst(%arg12 : memref<80x128xf32, #tpu.memory_space<vmem>>)
      "tpu.region"() ({
        %run_scoped3A = tpu.sem_alloc : memref<!tpu.dma_semaphore, #tpu.memory_space<semaphore_mem>>
        %dma_start3A_220 = arith.constant 0 : i32
        %dma_start3A_221 = arith.constant 0 : i32
        %dma_start3A_222 = tpu.memref_slice %arg17[%dma_start3A_220, %dma_start3A_221] : memref<10240x128xf32, #tpu.memory_space<vmem_shared>> -> memref<10240x128xf32, #tpu.memory_space<vmem_shared>>
        tpu.enqueue_indirect_dma source(%arg12 : memref<80x128xf32, #tpu.memory_space<vmem>>) target(%dma_start3A_222 : memref<10240x128xf32, #tpu.memory_space<vmem_shared>>) offsets(%arg9 : memref<80xi32, #tpu.memory_space<vmem>>) semaphore(%run_scoped3A : memref<!tpu.dma_semaphore, #tpu.memory_space<semaphore_mem>>) {add = true}
        %dma_wait3A_223 = arith.constant 0 : i32
        %dma_wait3A_224 = arith.constant 0 : i32
        %dma_wait3A_225 = tpu.memref_slice %arg17[%dma_wait3A_223, %dma_wait3A_224] : memref<10240x128xf32, #tpu.memory_space<vmem_shared>> -> memref<10240x128xf32, #tpu.memory_space<vmem_shared>>
        tpu.wait_indirect_dma semaphore(%run_scoped3A : memref<!tpu.dma_semaphore, #tpu.memory_space<semaphore_mem>>) src(%arg12 : memref<80x128xf32, #tpu.memory_space<vmem>>) dst(%dma_wait3A_225 : memref<10240x128xf32, #tpu.memory_space<vmem_shared>>)
        tpu.yield
      }) : () -> ()
      %add3A_151 = arith.constant 1 : i32
      %add3A_152 = arith.addi %scan3A_77, %add3A_151 : i32
      %lt3A = arith.constant 64 : i32
      %lt3A_153 = arith.cmpi slt, %add3A_152, %lt3A : i32
      %convert_element_type3A = arith.extui %lt3A_153 : i1 to i32
      %cond3A = arith.constant 0 : i32
      %cond3A_154 = arith.cmpi ne, %convert_element_type3A, %cond3A : i32
      scf.if %cond3A_154 {
        %add3A_220 = arith.constant 2 : i32
        %add3A_221 = arith.addi %mul3A_79, %add3A_220 : i32
        %mul3A_222 = arith.constant 80 : i32
        %mul3A_223 = arith.muli %add3A_221, %mul3A_222 : i32
        %add3A_224 = arith.addi %multiple_of3A, %mul3A_223 : i32
        %multiple_of3A_225 = tpu.assume_multiple %add3A_224, 8 : i32
        %dma_start3A_226 = tpu.memref_slice %arg4[%multiple_of3A_225] : memref<327680xi32, #tpu.memory_space<hbm>> -> memref<80xi32, #tpu.memory_space<hbm>>
        %dma_start3A_227 = tpu.memref_slice %arg4[%multiple_of3A_225] : memref<327680xi32, #tpu.memory_space<hbm>> -> memref<80xi32, #tpu.memory_space<hbm>>
        tpu.enqueue_dma source(%dma_start3A_227 : memref<80xi32, #tpu.memory_space<hbm>>) target(%arg8 : memref<80xi32, #tpu.memory_space<vmem>>) target_semaphore(%arg20 : memref<!tpu.dma_semaphore, #tpu.memory_space<semaphore_mem>>)
        %mul3A_228 = arith.constant 80 : i32
        %mul3A_229 = arith.muli %add3A_221, %mul3A_228 : i32
        %add3A_230 = arith.addi %multiple_of3A, %mul3A_229 : i32
        %multiple_of3A_231 = tpu.assume_multiple %add3A_230, 8 : i32
        %dma_start3A_232 = tpu.memref_slice %arg5[%multiple_of3A_231] : memref<327680xi32, #tpu.memory_space<hbm>> -> memref<80xi32, #tpu.memory_space<hbm>>
        %dma_start3A_233 = tpu.memref_slice %arg5[%multiple_of3A_231] : memref<327680xi32, #tpu.memory_space<hbm>> -> memref<80xi32, #tpu.memory_space<hbm>>
        tpu.enqueue_dma source(%dma_start3A_233 : memref<80xi32, #tpu.memory_space<hbm>>) target(%arg9 : memref<80xi32, #tpu.memory_space<vmem>>) target_semaphore(%arg21 : memref<!tpu.dma_semaphore, #tpu.memory_space<semaphore_mem>>)
      } else {
      }
      %get3A_155 = arith.constant 0 : index
      %get3A_156 = tpu.vector_load %arg10[%get3A_155] {strides = array<i32>} : memref<80xi32, #tpu.memory_space<vmem>>, vector<16xi32>,
      %get3A_157 = arith.constant 0 : index
      %get3A_158 = tpu.vector_load %arg11[%get3A_157] {strides = array<i32>} : memref<80xi32, #tpu.memory_space<vmem>>, vector<16xi32>,
      %gather3A_159 = tpu.vector_load_idx %arg14[%get3A_156] : memref<10000xf32, #tpu.memory_space<vmem>>[vector<16xi32>], vector<16xf32>,
      %shift_right_logical3A_160 = arith.constant 7 : i32
      %shift_right_logical3A_161 = vector.broadcast %shift_right_logical3A_160 : i32 to vector<16xi32>
      %shift_right_logical3A_162 = arith.shrui %get3A_158, %shift_right_logical3A_161 : vector<16xi32>
      %and3A_163 = arith.constant 127 : i32
      %and3A_164 = vector.broadcast %and3A_163 : i32 to vector<16xi32>
      %and3A_165 = arith.andi %get3A_158, %and3A_164 : vector<16xi32>
      tpu.vector_store_idx %arg15[%shift_right_logical3A_162, %and3A_165], %gather3A_159 {add = true} : memref<80x128xf32, #tpu.memory_space<vmem>>[vector<16xi32>, vector<16xi32>], vector<16xf32>,
      %get3A_166 = arith.constant 16 : index
      %get3A_167 = tpu.vector_load %arg10[%get3A_166] {strides = array<i32>} : memref<80xi32, #tpu.memory_space<vmem>>, vector<16xi32>,
      %get3A_168 = arith.constant 16 : index
      %get3A_169 = tpu.vector_load %arg11[%get3A_168] {strides = array<i32>} : memref<80xi32, #tpu.memory_space<vmem>>, vector<16xi32>,
      %gather3A_170 = tpu.vector_load_idx %arg14[%get3A_167] : memref<10000xf32, #tpu.memory_space<vmem>>[vector<16xi32>], vector<16xf32>,
      %shift_right_logical3A_171 = arith.constant 7 : i32
      %shift_right_logical3A_172 = vector.broadcast %shift_right_logical3A_171 : i32 to vector<16xi32>
      %shift_right_logical3A_173 = arith.shrui %get3A_169, %shift_right_logical3A_172 : vector<16xi32>
      %and3A_174 = arith.constant 127 : i32
      %and3A_175 = vector.broadcast %and3A_174 : i32 to vector<16xi32>
      %and3A_176 = arith.andi %get3A_169, %and3A_175 : vector<16xi32>
      tpu.vector_store_idx %arg15[%shift_right_logical3A_173, %and3A_176], %gather3A_170 {add = true} : memref<80x128xf32, #tpu.memory_space<vmem>>[vector<16xi32>, vector<16xi32>], vector<16xf32>,
      %get3A_177 = arith.constant 32 : index
      %get3A_178 = tpu.vector_load %arg10[%get3A_177] {strides = array<i32>} : memref<80xi32, #tpu.memory_space<vmem>>, vector<16xi32>,
      %get3A_179 = arith.constant 32 : index
      %get3A_180 = tpu.vector_load %arg11[%get3A_179] {strides = array<i32>} : memref<80xi32, #tpu.memory_space<vmem>>, vector<16xi32>,
      %gather3A_181 = tpu.vector_load_idx %arg14[%get3A_178] : memref<10000xf32, #tpu.memory_space<vmem>>[vector<16xi32>], vector<16xf32>,
      %shift_right_logical3A_182 = arith.constant 7 : i32
      %shift_right_logical3A_183 = vector.broadcast %shift_right_logical3A_182 : i32 to vector<16xi32>
      %shift_right_logical3A_184 = arith.shrui %get3A_180, %shift_right_logical3A_183 : vector<16xi32>
      %and3A_185 = arith.constant 127 : i32
      %and3A_186 = vector.broadcast %and3A_185 : i32 to vector<16xi32>
      %and3A_187 = arith.andi %get3A_180, %and3A_186 : vector<16xi32>
      tpu.vector_store_idx %arg15[%shift_right_logical3A_184, %and3A_187], %gather3A_181 {add = true} : memref<80x128xf32, #tpu.memory_space<vmem>>[vector<16xi32>, vector<16xi32>], vector<16xf32>,
      %get3A_188 = arith.constant 48 : index
      %get3A_189 = tpu.vector_load %arg10[%get3A_188] {strides = array<i32>} : memref<80xi32, #tpu.memory_space<vmem>>, vector<16xi32>,
      %get3A_190 = arith.constant 48 : index
      %get3A_191 = tpu.vector_load %arg11[%get3A_190] {strides = array<i32>} : memref<80xi32, #tpu.memory_space<vmem>>, vector<16xi32>,
      %gather3A_192 = tpu.vector_load_idx %arg14[%get3A_189] : memref<10000xf32, #tpu.memory_space<vmem>>[vector<16xi32>], vector<16xf32>,
      %shift_right_logical3A_193 = arith.constant 7 : i32
      %shift_right_logical3A_194 = vector.broadcast %shift_right_logical3A_193 : i32 to vector<16xi32>
      %shift_right_logical3A_195 = arith.shrui %get3A_191, %shift_right_logical3A_194 : vector<16xi32>
      %and3A_196 = arith.constant 127 : i32
      %and3A_197 = vector.broadcast %and3A_196 : i32 to vector<16xi32>
      %and3A_198 = arith.andi %get3A_191, %and3A_197 : vector<16xi32>
      tpu.vector_store_idx %arg15[%shift_right_logical3A_195, %and3A_198], %gather3A_192 {add = true} : memref<80x128xf32, #tpu.memory_space<vmem>>[vector<16xi32>, vector<16xi32>], vector<16xf32>,
      %get3A_199 = arith.constant 64 : index
      %get3A_200 = tpu.vector_load %arg10[%get3A_199] {strides = array<i32>} : memref<80xi32, #tpu.memory_space<vmem>>, vector<16xi32>,
      %get3A_201 = arith.constant 64 : index
      %get3A_202 = tpu.vector_load %arg11[%get3A_201] {strides = array<i32>} : memref<80xi32, #tpu.memory_space<vmem>>, vector<16xi32>,
      %gather3A_203 = tpu.vector_load_idx %arg14[%get3A_200] : memref<10000xf32, #tpu.memory_space<vmem>>[vector<16xi32>], vector<16xf32>,
      %shift_right_logical3A_204 = arith.constant 7 : i32
      %shift_right_logical3A_205 = vector.broadcast %shift_right_logical3A_204 : i32 to vector<16xi32>
      %shift_right_logical3A_206 = arith.shrui %get3A_202, %shift_right_logical3A_205 : vector<16xi32>
      %and3A_207 = arith.constant 127 : i32
      %and3A_208 = vector.broadcast %and3A_207 : i32 to vector<16xi32>
      %and3A_209 = arith.andi %get3A_202, %and3A_208 : vector<16xi32>
      tpu.vector_store_idx %arg15[%shift_right_logical3A_206, %and3A_209], %gather3A_203 {add = true} : memref<80x128xf32, #tpu.memory_space<vmem>>[vector<16xi32>, vector<16xi32>], vector<16xf32>,
      %dma_wait3A_210 = arith.constant 0 : i32
      %dma_wait3A_211 = arith.constant 0 : i32
      %dma_wait3A_212 = tpu.memref_slice %arg2[%dma_wait3A_210, %dma_wait3A_211] : memref<10000x128xf32, #tpu.memory_space<hbm>> -> memref<10000x128xf32, #tpu.memory_space<hbm>>
      tpu.wait_indirect_dma semaphore(%arg19 : memref<!tpu.dma_semaphore, #tpu.memory_space<semaphore_mem>>) src(%dma_wait3A_212 : memref<10000x128xf32, #tpu.memory_space<hbm>>) dst(%arg13 : memref<80x128xf32, #tpu.memory_space<vmem>>)
      "tpu.region"() ({
        %run_scoped3A = tpu.sem_alloc : memref<!tpu.dma_semaphore, #tpu.memory_space<semaphore_mem>>
        %dma_start3A_220 = arith.constant 0 : i32
        %dma_start3A_221 = arith.constant 0 : i32
        %dma_start3A_222 = tpu.memref_slice %arg17[%dma_start3A_220, %dma_start3A_221] : memref<10240x128xf32, #tpu.memory_space<vmem_shared>> -> memref<10240x128xf32, #tpu.memory_space<vmem_shared>>
        tpu.enqueue_indirect_dma source(%arg13 : memref<80x128xf32, #tpu.memory_space<vmem>>) target(%dma_start3A_222 : memref<10240x128xf32, #tpu.memory_space<vmem_shared>>) offsets(%arg11 : memref<80xi32, #tpu.memory_space<vmem>>) semaphore(%run_scoped3A : memref<!tpu.dma_semaphore, #tpu.memory_space<semaphore_mem>>) {add = true}
        %dma_wait3A_223 = arith.constant 0 : i32
        %dma_wait3A_224 = arith.constant 0 : i32
        %dma_wait3A_225 = tpu.memref_slice %arg17[%dma_wait3A_223, %dma_wait3A_224] : memref<10240x128xf32, #tpu.memory_space<vmem_shared>> -> memref<10240x128xf32, #tpu.memory_space<vmem_shared>>
        tpu.wait_indirect_dma semaphore(%run_scoped3A : memref<!tpu.dma_semaphore, #tpu.memory_space<semaphore_mem>>) src(%arg13 : memref<80x128xf32, #tpu.memory_space<vmem>>) dst(%dma_wait3A_225 : memref<10240x128xf32, #tpu.memory_space<vmem_shared>>)
        tpu.yield
      }) : () -> ()
      %add3A_213 = arith.constant 1 : i32
      %add3A_214 = arith.addi %scan3A_77, %add3A_213 : i32
      %lt3A_215 = arith.constant 64 : i32
      %lt3A_216 = arith.cmpi slt, %add3A_214, %lt3A_215 : i32
      %convert_element_type3A_217 = arith.extui %lt3A_216 : i1 to i32
      %cond3A_218 = arith.constant 0 : i32
      %cond3A_219 = arith.cmpi ne, %convert_element_type3A_217, %cond3A_218 : i32
      scf.if %cond3A_219 {
        %add3A_220 = arith.constant 2 : i32
        %add3A_221 = arith.addi %mul3A_79, %add3A_220 : i32
        %mul3A_222 = arith.constant 80 : i32
        %mul3A_223 = arith.muli %add3A_221, %mul3A_222 : i32
        %add3A_224 = arith.addi %multiple_of3A, %mul3A_223 : i32
        %multiple_of3A_225 = tpu.assume_multiple %add3A_224, 8 : i32
        %dma_wait3A_226 = tpu.memref_slice %arg4[%multiple_of3A_225] : memref<327680xi32, #tpu.memory_space<hbm>> -> memref<80xi32, #tpu.memory_space<hbm>>
        %dma_wait3A_227 = tpu.memref_slice %arg4[%multiple_of3A_225] : memref<327680xi32, #tpu.memory_space<hbm>> -> memref<80xi32, #tpu.memory_space<hbm>>
        tpu.wait_dma2 semaphore(%arg20 : memref<!tpu.dma_semaphore, #tpu.memory_space<semaphore_mem>>) src(%dma_wait3A_227 : memref<80xi32, #tpu.memory_space<hbm>>) dst(%arg8 : memref<80xi32, #tpu.memory_space<vmem>>)
        %mul3A_228 = arith.constant 80 : i32
        %mul3A_229 = arith.muli %add3A_221, %mul3A_228 : i32
        %add3A_230 = arith.addi %multiple_of3A, %mul3A_229 : i32
        %multiple_of3A_231 = tpu.assume_multiple %add3A_230, 8 : i32
        %dma_wait3A_232 = tpu.memref_slice %arg5[%multiple_of3A_231] : memref<327680xi32, #tpu.memory_space<hbm>> -> memref<80xi32, #tpu.memory_space<hbm>>
        %dma_wait3A_233 = tpu.memref_slice %arg5[%multiple_of3A_231] : memref<327680xi32, #tpu.memory_space<hbm>> -> memref<80xi32, #tpu.memory_space<hbm>>
        tpu.wait_dma2 semaphore(%arg21 : memref<!tpu.dma_semaphore, #tpu.memory_space<semaphore_mem>>) src(%dma_wait3A_233 : memref<80xi32, #tpu.memory_space<hbm>>) dst(%arg9 : memref<80xi32, #tpu.memory_space<vmem>>)
        %dma_start3A_234 = arith.constant 0 : i32
        %dma_start3A_235 = arith.constant 0 : i32
        %dma_start3A_236 = tpu.memref_slice %arg2[%dma_start3A_234, %dma_start3A_235] : memref<10000x128xf32, #tpu.memory_space<hbm>> -> memref<10000x128xf32, #tpu.memory_space<hbm>>
        tpu.enqueue_indirect_dma source(%dma_start3A_236 : memref<10000x128xf32, #tpu.memory_space<hbm>>) target(%arg12 : memref<80x128xf32, #tpu.memory_space<vmem>>) offsets(%arg8 : memref<80xi32, #tpu.memory_space<vmem>>) semaphore(%arg18 : memref<!tpu.dma_semaphore, #tpu.memory_space<semaphore_mem>>)
        %add3A_237 = arith.constant 3 : i32
        %add3A_238 = arith.addi %mul3A_79, %add3A_237 : i32
        %mul3A_239 = arith.constant 80 : i32
        %mul3A_240 = arith.muli %add3A_238, %mul3A_239 : i32
        %add3A_241 = arith.addi %multiple_of3A, %mul3A_240 : i32
        %multiple_of3A_242 = tpu.assume_multiple %add3A_241, 8 : i32
        %dma_start3A_243 = tpu.memref_slice %arg4[%multiple_of3A_242] : memref<327680xi32, #tpu.memory_space<hbm>> -> memref<80xi32, #tpu.memory_space<hbm>>
        %dma_start3A_244 = tpu.memref_slice %arg4[%multiple_of3A_242] : memref<327680xi32, #tpu.memory_space<hbm>> -> memref<80xi32, #tpu.memory_space<hbm>>
        tpu.enqueue_dma source(%dma_start3A_244 : memref<80xi32, #tpu.memory_space<hbm>>) target(%arg10 : memref<80xi32, #tpu.memory_space<vmem>>) target_semaphore(%arg22 : memref<!tpu.dma_semaphore, #tpu.memory_space<semaphore_mem>>)
        %mul3A_245 = arith.constant 80 : i32
        %mul3A_246 = arith.muli %add3A_238, %mul3A_245 : i32
        %add3A_247 = arith.addi %multiple_of3A, %mul3A_246 : i32
        %multiple_of3A_248 = tpu.assume_multiple %add3A_247, 8 : i32
        %dma_start3A_249 = tpu.memref_slice %arg5[%multiple_of3A_248] : memref<327680xi32, #tpu.memory_space<hbm>> -> memref<80xi32, #tpu.memory_space<hbm>>
        %dma_start3A_250 = tpu.memref_slice %arg5[%multiple_of3A_248] : memref<327680xi32, #tpu.memory_space<hbm>> -> memref<80xi32, #tpu.memory_space<hbm>>
        tpu.enqueue_dma source(%dma_start3A_250 : memref<80xi32, #tpu.memory_space<hbm>>) target(%arg11 : memref<80xi32, #tpu.memory_space<vmem>>) target_semaphore(%arg23 : memref<!tpu.dma_semaphore, #tpu.memory_space<semaphore_mem>>)
      } else {
      }
    }
    %scan3A_71 = arith.constant 64 : i32
    "tpu.region"() ({
      %run_scoped3A = tpu.sem_alloc : memref<!tpu.dma_semaphore, #tpu.memory_space<semaphore_mem>>
      %dma_start3A_77 = arith.constant 0 : i32
      %dma_start3A_78 = arith.constant 0 : i32
      %dma_start3A_79 = tpu.memref_slice %arg17[%dma_start3A_77, %dma_start3A_78] : memref<10240x128xf32, #tpu.memory_space<vmem_shared>> -> memref<10240x128xf32, #tpu.memory_space<vmem_shared>>
      tpu.enqueue_indirect_dma source(%arg15 : memref<80x128xf32, #tpu.memory_space<vmem>>) target(%dma_start3A_79 : memref<10240x128xf32, #tpu.memory_space<vmem_shared>>) offsets(%arg16 : memref<80xi32, #tpu.memory_space<vmem>>) semaphore(%run_scoped3A : memref<!tpu.dma_semaphore, #tpu.memory_space<semaphore_mem>>) {add = true}
      %dma_wait3A_80 = arith.constant 0 : i32
      %dma_wait3A_81 = arith.constant 0 : i32
      %dma_wait3A_82 = tpu.memref_slice %arg17[%dma_wait3A_80, %dma_wait3A_81] : memref<10240x128xf32, #tpu.memory_space<vmem_shared>> -> memref<10240x128xf32, #tpu.memory_space<vmem_shared>>
      tpu.wait_indirect_dma semaphore(%run_scoped3A : memref<!tpu.dma_semaphore, #tpu.memory_space<semaphore_mem>>) src(%arg15 : memref<80x128xf32, #tpu.memory_space<vmem>>) dst(%dma_wait3A_82 : memref<10240x128xf32, #tpu.memory_space<vmem_shared>>)
      tpu.yield
    }) : () -> ()
    %barrier3A_72 = arith.constant 0 : index
    tpu.barrier barrier_id(%barrier3A_72)
    %mul3A_73 = arith.constant 10240 : i32
    %mul3A_74 = arith.muli %arg0, %mul3A_73 : i32
    %add3A_75 = arith.addi %mul3A_74, %mul3A_32 : i32
    %multiple_of3A_76 = tpu.assume_multiple %add3A_75, 8 : i32
    "tpu.region"() ({
      %run_scoped3A = tpu.sem_alloc : memref<!tpu.dma_semaphore, #tpu.memory_space<semaphore_mem>>
      %dma_start3A_77 = arith.constant 0 : i32
      %dma_start3A_78 = tpu.memref_slice %arg7[%multiple_of3A_76, %dma_start3A_77] : memref<20480x128xf32, #tpu.memory_space<hbm>> -> memref<640x128xf32, #tpu.memory_space<hbm>>
      %dma_start3A_79 = arith.constant 0 : i32
      %dma_start3A_80 = tpu.memref_slice %arg17[%mul3A_32, %dma_start3A_79] : memref<10240x128xf32, #tpu.memory_space<vmem_shared>> -> memref<640x128xf32, #tpu.memory_space<vmem_shared>>
      tpu.enqueue_dma source(%dma_start3A_80 : memref<640x128xf32, #tpu.memory_space<vmem_shared>>) target(%dma_start3A_78 : memref<640x128xf32, #tpu.memory_space<hbm>>) target_semaphore(%run_scoped3A : memref<!tpu.dma_semaphore, #tpu.memory_space<semaphore_mem>>)
      %dma_wait3A_81 = arith.constant 0 : i32
      %dma_wait3A_82 = tpu.memref_slice %arg7[%multiple_of3A_76, %dma_wait3A_81] : memref<20480x128xf32, #tpu.memory_space<hbm>> -> memref<640x128xf32, #tpu.memory_space<hbm>>
      %dma_wait3A_83 = arith.constant 0 : i32
      %dma_wait3A_84 = tpu.memref_slice %arg17[%mul3A_32, %dma_wait3A_83] : memref<10240x128xf32, #tpu.memory_space<vmem_shared>> -> memref<640x128xf32, #tpu.memory_space<vmem_shared>>
      tpu.wait_dma2 semaphore(%run_scoped3A : memref<!tpu.dma_semaphore, #tpu.memory_space<semaphore_mem>>) src(%dma_wait3A_84 : memref<640x128xf32, #tpu.memory_space<vmem_shared>>) dst(%dma_wait3A_82 : memref<640x128xf32, #tpu.memory_space<hbm>>)
      tpu.yield
    }) : () -> ()
    return
  }
}

module attributes {stable_mosaic.version = 14 : i64} {
  func.func @_prep_body(%arg0: memref<10000x128xf32, #tpu.memory_space<vmem>>, %arg1: memref<64x128xf32, #tpu.memory_space<vmem>>, %arg2: memref<1x64xf32, #tpu.memory_space<vmem>>, %arg3: memref<1x64xf32, #tpu.memory_space<vmem>>, %arg4: memref<1x1xf32, #tpu.memory_space<vmem>>, %arg5: memref<10000x128xf32, #tpu.memory_space<vmem>>, %arg6: memref<10000x1xf32, #tpu.memory_space<vmem>>) attributes {dimension_semantics = [], scalar_prefetch = 0 : i64, scratch_operands = 0 : i64, tpu.core_type = #tpu.core_type<tc>} {
    %get3A = arith.constant 0 : index
    %get3A_0 = arith.constant 0 : index
    %get3A_1 = vector.load %arg0[%get3A, %get3A_0] : memref<10000x128xf32, #tpu.memory_space<vmem>>, vector<10000x128xf32>
    %get3A_2 = arith.constant 0 : index
    %get3A_3 = arith.constant 0 : index
    %get3A_4 = vector.load %arg1[%get3A_2, %get3A_3] : memref<64x128xf32, #tpu.memory_space<vmem>>, vector<64x128xf32>
    %dot_general3A = arith.constant dense<0.000000e+00> : vector<10000x64xf32>
    %dot_general3A_5 = tpu.matmul %get3A_1, %get3A_4, %dot_general3A {dimension_numbers = #tpu.dot_dimension_numbers<[1], [1], [0], [0], [0, 0, 1, 0], [], []>, transpose_lhs_hint = false} : vector<10000x128xf32>, vector<64x128xf32>, vector<10000x64xf32> -> vector<10000x64xf32>
    %get3A_6 = arith.constant 0 : index
    %get3A_7 = arith.constant 0 : index
    %get3A_8 = vector.load %arg2[%get3A_6, %get3A_7] : memref<1x64xf32, #tpu.memory_space<vmem>>, vector<1x64xf32>
    %add3A = vector.broadcast %get3A_8 : vector<1x64xf32> to vector<10000x64xf32>
    %add3A_9 = arith.addf %dot_general3A_5, %add3A : vector<10000x64xf32>
    %get3A_10 = arith.constant 0 : index
    %get3A_11 = arith.constant 0 : index
    %get3A_12 = vector.load %arg3[%get3A_10, %get3A_11] : memref<1x64xf32, #tpu.memory_space<vmem>>, vector<1x64xf32>
    %mul3A = vector.broadcast %get3A_12 : vector<1x64xf32> to vector<10000x64xf32>
    %mul3A_13 = arith.mulf %add3A_9, %mul3A : vector<10000x64xf32>
    %reduce_sum3A = arith.constant dense<0.000000e+00> : vector<10000xf32>
    %reduce_sum3A_14 = vector.multi_reduction <add>, %mul3A_13, %reduce_sum3A [1] : vector<10000x64xf32> to vector<10000xf32>
    %broadcast_in_dim3A = vector.shape_cast %reduce_sum3A_14 : vector<10000xf32> to vector<10000x1xf32>
    %get3A_15 = arith.constant 0 : index
    %get3A_16 = arith.constant 0 : index
    %get3A_17 = vector.load %arg4[%get3A_15, %get3A_16] : memref<1x1xf32, #tpu.memory_space<vmem>>, vector<1x1xf32>
    %get3A_18 = vector.extract %get3A_17[0, 0] : f32 from vector<1x1xf32>
    %add3A_19 = vector.broadcast %get3A_18 : f32 to vector<10000x1xf32>
    %add3A_20 = arith.addf %broadcast_in_dim3A, %add3A_19 : vector<10000x1xf32>
    %reduce_max3A = vector.shape_cast %add3A_20 : vector<10000x1xf32> to vector<1x10000x1xf32>
    %reduce_max3A_21 = arith.constant dense<0xFF800000> : vector<1xf32>
    %reduce_max3A_22 = vector.multi_reduction <maximumf>, %reduce_max3A, %reduce_max3A_21 [1, 2] : vector<1x10000x1xf32> to vector<1xf32>
    %reduce_max3A_23 = vector.shape_cast %reduce_max3A_22 : vector<1xf32> to vector<1x1x1xf32>
    %reduce_max3A_24 = vector.extract %reduce_max3A_23[0, 0, 0] : f32 from vector<1x1x1xf32>
    %sub3A = vector.broadcast %reduce_max3A_24 : f32 to vector<10000x1xf32>
    %sub3A_25 = arith.subf %add3A_20, %sub3A : vector<10000x1xf32>
    %exp3A = math.exp %sub3A_25 : vector<10000x1xf32>
    %mul3A_26 = vector.broadcast %exp3A : vector<10000x1xf32> to vector<10000x128xf32>
    %mul3A_27 = arith.mulf %get3A_1, %mul3A_26 : vector<10000x128xf32>
    %swap3A = arith.constant 0 : index
    %swap3A_28 = arith.constant 0 : index
    %swap3A_29 = vector.load %arg5[%swap3A, %swap3A_28] : memref<10000x128xf32, #tpu.memory_space<vmem>>, vector<10000x128xf32>
    tpu.vector_store %arg5[%swap3A, %swap3A_28], %mul3A_27 {strides = array<i32>} : memref<10000x128xf32, #tpu.memory_space<vmem>>, vector<10000x128xf32>,
    %swap3A_30 = arith.constant 0 : index
    %swap3A_31 = arith.constant 0 : index
    %swap3A_32 = vector.load %arg6[%swap3A_30, %swap3A_31] : memref<10000x1xf32, #tpu.memory_space<vmem>>, vector<10000x1xf32>
    tpu.vector_store %arg6[%swap3A_30, %swap3A_31], %exp3A {strides = array<i32>} : memref<10000x1xf32, #tpu.memory_space<vmem>>, vector<10000x1xf32>,
    return
  }
}

module attributes {stable_mosaic.version = 14 : i64} {
  func.func @_finalize_body(%arg0: memref<2x10240x128xf32, #tpu.memory_space<vmem>>, %arg1: memref<10000x128xf32, #tpu.memory_space<vmem>>) attributes {dimension_semantics = [], scalar_prefetch = 0 : i64, scratch_operands = 0 : i64, tpu.core_type = #tpu.core_type<tc>} {
    %get3A = arith.constant 0 : index
    %get3A_0 = arith.constant 0 : index
    %get3A_1 = arith.constant 0 : index
    %get3A_2 = vector.load %arg0[%get3A, %get3A_0, %get3A_1] : memref<2x10240x128xf32, #tpu.memory_space<vmem>>, vector<1x10240x128xf32>
    %get3A_3 = vector.shape_cast %get3A_2 : vector<1x10240x128xf32> to vector<10240x128xf32>
    %get3A_4 = arith.constant 1 : index
    %get3A_5 = arith.constant 0 : index
    %get3A_6 = arith.constant 0 : index
    %get3A_7 = vector.load %arg0[%get3A_4, %get3A_5, %get3A_6] : memref<2x10240x128xf32, #tpu.memory_space<vmem>>, vector<1x10240x128xf32>
    %get3A_8 = vector.shape_cast %get3A_7 : vector<1x10240x128xf32> to vector<10240x128xf32>
    %add3A = arith.addf %get3A_3, %get3A_8 : vector<10240x128xf32>
    %slice3A = vector.extract_strided_slice %add3A {offsets = [10000, 0], sizes = [80, 128], strides = [1, 1]} : vector<10240x128xf32> to vector<80x128xf32>
    %gt3A = arith.constant 0.000000e+00 : f32
    %gt3A_9 = vector.broadcast %gt3A : f32 to vector<80x128xf32>
    %gt3A_10 = arith.cmpf ogt, %slice3A, %gt3A_9 : vector<80x128xf32>
    %jit3A = arith.constant 1.000000e+00 : f32
    %broadcast_in_dim3A = vector.broadcast %jit3A : f32 to vector<80x128xf32>
    %select_n3A = arith.select %gt3A_10, %slice3A, %broadcast_in_dim3A : vector<80x128xi1>, vector<80x128xf32>
    %div3A = arith.constant 1.000000e+00 : f32
    %div3A_11 = vector.broadcast %div3A : f32 to vector<80x128xf32>
    %div3A_12 = arith.divf %div3A_11, %select_n3A : vector<80x128xf32>
    %iota3A = tpu.iota {dimensions = array<i32: 0>} : vector<128x128xi32>
    %iota3A_13 = tpu.iota {dimensions = array<i32: 1>} : vector<128x128xi32>
    %eq3A = arith.cmpi eq, %iota3A, %iota3A_13 : vector<128x128xi32>
    %convert_element_type3A = arith.extui %eq3A : vector<128x128xi1> to vector<128x128xi32>
    %convert_element_type3A_14 = arith.sitofp %convert_element_type3A : vector<128x128xi32> to vector<128x128xf32>
    %slice3A_15 = vector.extract_strided_slice %div3A_12 {offsets = [0, 0], sizes = [1, 128], strides = [1, 1]} : vector<80x128xf32> to vector<1x128xf32>
    %mul3A = vector.broadcast %slice3A_15 : vector<1x128xf32> to vector<128x128xf32>
    %mul3A_16 = arith.mulf %convert_element_type3A_14, %mul3A : vector<128x128xf32>
    %slice3A_17 = vector.extract_strided_slice %add3A {offsets = [0, 0], sizes = [128, 128], strides = [1, 1]} : vector<10240x128xf32> to vector<128x128xf32>
    %dot_general3A = arith.constant dense<0.000000e+00> : vector<128x128xf32>
    %dot_general3A_18 = tpu.matmul %mul3A_16, %slice3A_17, %dot_general3A {dimension_numbers = #tpu.dot_dimension_numbers<[1], [0], [0], [1], [0, 0, 1, 1], [], []>, transpose_lhs_hint = false} : vector<128x128xf32>, vector<128x128xf32>, vector<128x128xf32> -> vector<128x128xf32>
    %swap3A = arith.constant 0 : index
    %swap3A_19 = arith.constant 0 : index
    %swap3A_20 = vector.load %arg1[%swap3A, %swap3A_19] : memref<10000x128xf32, #tpu.memory_space<vmem>>, vector<128x128xf32>
    tpu.vector_store %arg1[%swap3A, %swap3A_19], %dot_general3A_18 {strides = array<i32>} : memref<10000x128xf32, #tpu.memory_space<vmem>>, vector<128x128xf32>,
    %slice3A_21 = vector.extract_strided_slice %div3A_12 {offsets = [1, 0], sizes = [1, 128], strides = [1, 1]} : vector<80x128xf32> to vector<1x128xf32>
    %mul3A_22 = vector.broadcast %slice3A_21 : vector<1x128xf32> to vector<128x128xf32>
    %mul3A_23 = arith.mulf %convert_element_type3A_14, %mul3A_22 : vector<128x128xf32>
    %slice3A_24 = vector.extract_strided_slice %add3A {offsets = [128, 0], sizes = [128, 128], strides = [1, 1]} : vector<10240x128xf32> to vector<128x128xf32>
    %dot_general3A_25 = arith.constant dense<0.000000e+00> : vector<128x128xf32>
    %dot_general3A_26 = tpu.matmul %mul3A_23, %slice3A_24, %dot_general3A_25 {dimension_numbers = #tpu.dot_dimension_numbers<[1], [0], [0], [1], [0, 0, 1, 1], [], []>, transpose_lhs_hint = false} : vector<128x128xf32>, vector<128x128xf32>, vector<128x128xf32> -> vector<128x128xf32>
    %swap3A_27 = arith.constant 128 : index
    %swap3A_28 = arith.constant 0 : index
    %swap3A_29 = vector.load %arg1[%swap3A_27, %swap3A_28] : memref<10000x128xf32, #tpu.memory_space<vmem>>, vector<128x128xf32>
    tpu.vector_store %arg1[%swap3A_27, %swap3A_28], %dot_general3A_26 {strides = array<i32>} : memref<10000x128xf32, #tpu.memory_space<vmem>>, vector<128x128xf32>,
    %slice3A_30 = vector.extract_strided_slice %div3A_12 {offsets = [2, 0], sizes = [1, 128], strides = [1, 1]} : vector<80x128xf32> to vector<1x128xf32>
    %mul3A_31 = vector.broadcast %slice3A_30 : vector<1x128xf32> to vector<128x128xf32>
    %mul3A_32 = arith.mulf %convert_element_type3A_14, %mul3A_31 : vector<128x128xf32>
    %slice3A_33 = vector.extract_strided_slice %add3A {offsets = [256, 0], sizes = [128, 128], strides = [1, 1]} : vector<10240x128xf32> to vector<128x128xf32>
    %dot_general3A_34 = arith.constant dense<0.000000e+00> : vector<128x128xf32>
    %dot_general3A_35 = tpu.matmul %mul3A_32, %slice3A_33, %dot_general3A_34 {dimension_numbers = #tpu.dot_dimension_numbers<[1], [0], [0], [1], [0, 0, 1, 1], [], []>, transpose_lhs_hint = false} : vector<128x128xf32>, vector<128x128xf32>, vector<128x128xf32> -> vector<128x128xf32>
    %swap3A_36 = arith.constant 256 : index
    %swap3A_37 = arith.constant 0 : index
    %swap3A_38 = vector.load %arg1[%swap3A_36, %swap3A_37] : memref<10000x128xf32, #tpu.memory_space<vmem>>, vector<128x128xf32>
    tpu.vector_store %arg1[%swap3A_36, %swap3A_37], %dot_general3A_35 {strides = array<i32>} : memref<10000x128xf32, #tpu.memory_space<vmem>>, vector<128x128xf32>,
    %slice3A_39 = vector.extract_strided_slice %div3A_12 {offsets = [3, 0], sizes = [1, 128], strides = [1, 1]} : vector<80x128xf32> to vector<1x128xf32>
    %mul3A_40 = vector.broadcast %slice3A_39 : vector<1x128xf32> to vector<128x128xf32>
    %mul3A_41 = arith.mulf %convert_element_type3A_14, %mul3A_40 : vector<128x128xf32>
    %slice3A_42 = vector.extract_strided_slice %add3A {offsets = [384, 0], sizes = [128, 128], strides = [1, 1]} : vector<10240x128xf32> to vector<128x128xf32>
    %dot_general3A_43 = arith.constant dense<0.000000e+00> : vector<128x128xf32>
    %dot_general3A_44 = tpu.matmul %mul3A_41, %slice3A_42, %dot_general3A_43 {dimension_numbers = #tpu.dot_dimension_numbers<[1], [0], [0], [1], [0, 0, 1, 1], [], []>, transpose_lhs_hint = false} : vector<128x128xf32>, vector<128x128xf32>, vector<128x128xf32> -> vector<128x128xf32>
    %swap3A_45 = arith.constant 384 : index
    %swap3A_46 = arith.constant 0 : index
    %swap3A_47 = vector.load %arg1[%swap3A_45, %swap3A_46] : memref<10000x128xf32, #tpu.memory_space<vmem>>, vector<128x128xf32>
    tpu.vector_store %arg1[%swap3A_45, %swap3A_46], %dot_general3A_44 {strides = array<i32>} : memref<10000x128xf32, #tpu.memory_space<vmem>>, vector<128x128xf32>,
    %slice3A_48 = vector.extract_strided_slice %div3A_12 {offsets = [4, 0], sizes = [1, 128], strides = [1, 1]} : vector<80x128xf32> to vector<1x128xf32>
    %mul3A_49 = vector.broadcast %slice3A_48 : vector<1x128xf32> to vector<128x128xf32>
    %mul3A_50 = arith.mulf %convert_element_type3A_14, %mul3A_49 : vector<128x128xf32>
    %slice3A_51 = vector.extract_strided_slice %add3A {offsets = [512, 0], sizes = [128, 128], strides = [1, 1]} : vector<10240x128xf32> to vector<128x128xf32>
    %dot_general3A_52 = arith.constant dense<0.000000e+00> : vector<128x128xf32>
    %dot_general3A_53 = tpu.matmul %mul3A_50, %slice3A_51, %dot_general3A_52 {dimension_numbers = #tpu.dot_dimension_numbers<[1], [0], [0], [1], [0, 0, 1, 1], [], []>, transpose_lhs_hint = false} : vector<128x128xf32>, vector<128x128xf32>, vector<128x128xf32> -> vector<128x128xf32>
    %swap3A_54 = arith.constant 512 : index
    %swap3A_55 = arith.constant 0 : index
    %swap3A_56 = vector.load %arg1[%swap3A_54, %swap3A_55] : memref<10000x128xf32, #tpu.memory_space<vmem>>, vector<128x128xf32>
    tpu.vector_store %arg1[%swap3A_54, %swap3A_55], %dot_general3A_53 {strides = array<i32>} : memref<10000x128xf32, #tpu.memory_space<vmem>>, vector<128x128xf32>,
    %slice3A_57 = vector.extract_strided_slice %div3A_12 {offsets = [5, 0], sizes = [1, 128], strides = [1, 1]} : vector<80x128xf32> to vector<1x128xf32>
    %mul3A_58 = vector.broadcast %slice3A_57 : vector<1x128xf32> to vector<128x128xf32>
    %mul3A_59 = arith.mulf %convert_element_type3A_14, %mul3A_58 : vector<128x128xf32>
    %slice3A_60 = vector.extract_strided_slice %add3A {offsets = [640, 0], sizes = [128, 128], strides = [1, 1]} : vector<10240x128xf32> to vector<128x128xf32>
    %dot_general3A_61 = arith.constant dense<0.000000e+00> : vector<128x128xf32>
    %dot_general3A_62 = tpu.matmul %mul3A_59, %slice3A_60, %dot_general3A_61 {dimension_numbers = #tpu.dot_dimension_numbers<[1], [0], [0], [1], [0, 0, 1, 1], [], []>, transpose_lhs_hint = false} : vector<128x128xf32>, vector<128x128xf32>, vector<128x128xf32> -> vector<128x128xf32>
    %swap3A_63 = arith.constant 640 : index
    %swap3A_64 = arith.constant 0 : index
    %swap3A_65 = vector.load %arg1[%swap3A_63, %swap3A_64] : memref<10000x128xf32, #tpu.memory_space<vmem>>, vector<128x128xf32>
    tpu.vector_store %arg1[%swap3A_63, %swap3A_64], %dot_general3A_62 {strides = array<i32>} : memref<10000x128xf32, #tpu.memory_space<vmem>>, vector<128x128xf32>,
    %slice3A_66 = vector.extract_strided_slice %div3A_12 {offsets = [6, 0], sizes = [1, 128], strides = [1, 1]} : vector<80x128xf32> to vector<1x128xf32>
    %mul3A_67 = vector.broadcast %slice3A_66 : vector<1x128xf32> to vector<128x128xf32>
    %mul3A_68 = arith.mulf %convert_element_type3A_14, %mul3A_67 : vector<128x128xf32>
    %slice3A_69 = vector.extract_strided_slice %add3A {offsets = [768, 0], sizes = [128, 128], strides = [1, 1]} : vector<10240x128xf32> to vector<128x128xf32>
    %dot_general3A_70 = arith.constant dense<0.000000e+00> : vector<128x128xf32>
    %dot_general3A_71 = tpu.matmul %mul3A_68, %slice3A_69, %dot_general3A_70 {dimension_numbers = #tpu.dot_dimension_numbers<[1], [0], [0], [1], [0, 0, 1, 1], [], []>, transpose_lhs_hint = false} : vector<128x128xf32>, vector<128x128xf32>, vector<128x128xf32> -> vector<128x128xf32>
    %swap3A_72 = arith.constant 768 : index
    %swap3A_73 = arith.constant 0 : index
    %swap3A_74 = vector.load %arg1[%swap3A_72, %swap3A_73] : memref<10000x128xf32, #tpu.memory_space<vmem>>, vector<128x128xf32>
    tpu.vector_store %arg1[%swap3A_72, %swap3A_73], %dot_general3A_71 {strides = array<i32>} : memref<10000x128xf32, #tpu.memory_space<vmem>>, vector<128x128xf32>,
    %slice3A_75 = vector.extract_strided_slice %div3A_12 {offsets = [7, 0], sizes = [1, 128], strides = [1, 1]} : vector<80x128xf32> to vector<1x128xf32>
    %mul3A_76 = vector.broadcast %slice3A_75 : vector<1x128xf32> to vector<128x128xf32>
    %mul3A_77 = arith.mulf %convert_element_type3A_14, %mul3A_76 : vector<128x128xf32>
    %slice3A_78 = vector.extract_strided_slice %add3A {offsets = [896, 0], sizes = [128, 128], strides = [1, 1]} : vector<10240x128xf32> to vector<128x128xf32>
    %dot_general3A_79 = arith.constant dense<0.000000e+00> : vector<128x128xf32>
    %dot_general3A_80 = tpu.matmul %mul3A_77, %slice3A_78, %dot_general3A_79 {dimension_numbers = #tpu.dot_dimension_numbers<[1], [0], [0], [1], [0, 0, 1, 1], [], []>, transpose_lhs_hint = false} : vector<128x128xf32>, vector<128x128xf32>, vector<128x128xf32> -> vector<128x128xf32>
    %swap3A_81 = arith.constant 896 : index
    %swap3A_82 = arith.constant 0 : index
    %swap3A_83 = vector.load %arg1[%swap3A_81, %swap3A_82] : memref<10000x128xf32, #tpu.memory_space<vmem>>, vector<128x128xf32>
    tpu.vector_store %arg1[%swap3A_81, %swap3A_82], %dot_general3A_80 {strides = array<i32>} : memref<10000x128xf32, #tpu.memory_space<vmem>>, vector<128x128xf32>,
    %slice3A_84 = vector.extract_strided_slice %div3A_12 {offsets = [8, 0], sizes = [1, 128], strides = [1, 1]} : vector<80x128xf32> to vector<1x128xf32>
    %mul3A_85 = vector.broadcast %slice3A_84 : vector<1x128xf32> to vector<128x128xf32>
    %mul3A_86 = arith.mulf %convert_element_type3A_14, %mul3A_85 : vector<128x128xf32>
    %slice3A_87 = vector.extract_strided_slice %add3A {offsets = [1024, 0], sizes = [128, 128], strides = [1, 1]} : vector<10240x128xf32> to vector<128x128xf32>
    %dot_general3A_88 = arith.constant dense<0.000000e+00> : vector<128x128xf32>
    %dot_general3A_89 = tpu.matmul %mul3A_86, %slice3A_87, %dot_general3A_88 {dimension_numbers = #tpu.dot_dimension_numbers<[1], [0], [0], [1], [0, 0, 1, 1], [], []>, transpose_lhs_hint = false} : vector<128x128xf32>, vector<128x128xf32>, vector<128x128xf32> -> vector<128x128xf32>
    %swap3A_90 = arith.constant 1024 : index
    %swap3A_91 = arith.constant 0 : index
    %swap3A_92 = vector.load %arg1[%swap3A_90, %swap3A_91] : memref<10000x128xf32, #tpu.memory_space<vmem>>, vector<128x128xf32>
    tpu.vector_store %arg1[%swap3A_90, %swap3A_91], %dot_general3A_89 {strides = array<i32>} : memref<10000x128xf32, #tpu.memory_space<vmem>>, vector<128x128xf32>,
    %slice3A_93 = vector.extract_strided_slice %div3A_12 {offsets = [9, 0], sizes = [1, 128], strides = [1, 1]} : vector<80x128xf32> to vector<1x128xf32>
    %mul3A_94 = vector.broadcast %slice3A_93 : vector<1x128xf32> to vector<128x128xf32>
    %mul3A_95 = arith.mulf %convert_element_type3A_14, %mul3A_94 : vector<128x128xf32>
    %slice3A_96 = vector.extract_strided_slice %add3A {offsets = [1152, 0], sizes = [128, 128], strides = [1, 1]} : vector<10240x128xf32> to vector<128x128xf32>
    %dot_general3A_97 = arith.constant dense<0.000000e+00> : vector<128x128xf32>
    %dot_general3A_98 = tpu.matmul %mul3A_95, %slice3A_96, %dot_general3A_97 {dimension_numbers = #tpu.dot_dimension_numbers<[1], [0], [0], [1], [0, 0, 1, 1], [], []>, transpose_lhs_hint = false} : vector<128x128xf32>, vector<128x128xf32>, vector<128x128xf32> -> vector<128x128xf32>
    %swap3A_99 = arith.constant 1152 : index
    %swap3A_100 = arith.constant 0 : index
    %swap3A_101 = vector.load %arg1[%swap3A_99, %swap3A_100] : memref<10000x128xf32, #tpu.memory_space<vmem>>, vector<128x128xf32>
    tpu.vector_store %arg1[%swap3A_99, %swap3A_100], %dot_general3A_98 {strides = array<i32>} : memref<10000x128xf32, #tpu.memory_space<vmem>>, vector<128x128xf32>,
    %slice3A_102 = vector.extract_strided_slice %div3A_12 {offsets = [10, 0], sizes = [1, 128], strides = [1, 1]} : vector<80x128xf32> to vector<1x128xf32>
    %mul3A_103 = vector.broadcast %slice3A_102 : vector<1x128xf32> to vector<128x128xf32>
    %mul3A_104 = arith.mulf %convert_element_type3A_14, %mul3A_103 : vector<128x128xf32>
    %slice3A_105 = vector.extract_strided_slice %add3A {offsets = [1280, 0], sizes = [128, 128], strides = [1, 1]} : vector<10240x128xf32> to vector<128x128xf32>
    %dot_general3A_106 = arith.constant dense<0.000000e+00> : vector<128x128xf32>
    %dot_general3A_107 = tpu.matmul %mul3A_104, %slice3A_105, %dot_general3A_106 {dimension_numbers = #tpu.dot_dimension_numbers<[1], [0], [0], [1], [0, 0, 1, 1], [], []>, transpose_lhs_hint = false} : vector<128x128xf32>, vector<128x128xf32>, vector<128x128xf32> -> vector<128x128xf32>
    %swap3A_108 = arith.constant 1280 : index
    %swap3A_109 = arith.constant 0 : index
    %swap3A_110 = vector.load %arg1[%swap3A_108, %swap3A_109] : memref<10000x128xf32, #tpu.memory_space<vmem>>, vector<128x128xf32>
    tpu.vector_store %arg1[%swap3A_108, %swap3A_109], %dot_general3A_107 {strides = array<i32>} : memref<10000x128xf32, #tpu.memory_space<vmem>>, vector<128x128xf32>,
    %slice3A_111 = vector.extract_strided_slice %div3A_12 {offsets = [11, 0], sizes = [1, 128], strides = [1, 1]} : vector<80x128xf32> to vector<1x128xf32>
    %mul3A_112 = vector.broadcast %slice3A_111 : vector<1x128xf32> to vector<128x128xf32>
    %mul3A_113 = arith.mulf %convert_element_type3A_14, %mul3A_112 : vector<128x128xf32>
    %slice3A_114 = vector.extract_strided_slice %add3A {offsets = [1408, 0], sizes = [128, 128], strides = [1, 1]} : vector<10240x128xf32> to vector<128x128xf32>
    %dot_general3A_115 = arith.constant dense<0.000000e+00> : vector<128x128xf32>
    %dot_general3A_116 = tpu.matmul %mul3A_113, %slice3A_114, %dot_general3A_115 {dimension_numbers = #tpu.dot_dimension_numbers<[1], [0], [0], [1], [0, 0, 1, 1], [], []>, transpose_lhs_hint = false} : vector<128x128xf32>, vector<128x128xf32>, vector<128x128xf32> -> vector<128x128xf32>
    %swap3A_117 = arith.constant 1408 : index
    %swap3A_118 = arith.constant 0 : index
    %swap3A_119 = vector.load %arg1[%swap3A_117, %swap3A_118] : memref<10000x128xf32, #tpu.memory_space<vmem>>, vector<128x128xf32>
    tpu.vector_store %arg1[%swap3A_117, %swap3A_118], %dot_general3A_116 {strides = array<i32>} : memref<10000x128xf32, #tpu.memory_space<vmem>>, vector<128x128xf32>,
    %slice3A_120 = vector.extract_strided_slice %div3A_12 {offsets = [12, 0], sizes = [1, 128], strides = [1, 1]} : vector<80x128xf32> to vector<1x128xf32>
    %mul3A_121 = vector.broadcast %slice3A_120 : vector<1x128xf32> to vector<128x128xf32>
    %mul3A_122 = arith.mulf %convert_element_type3A_14, %mul3A_121 : vector<128x128xf32>
    %slice3A_123 = vector.extract_strided_slice %add3A {offsets = [1536, 0], sizes = [128, 128], strides = [1, 1]} : vector<10240x128xf32> to vector<128x128xf32>
    %dot_general3A_124 = arith.constant dense<0.000000e+00> : vector<128x128xf32>
    %dot_general3A_125 = tpu.matmul %mul3A_122, %slice3A_123, %dot_general3A_124 {dimension_numbers = #tpu.dot_dimension_numbers<[1], [0], [0], [1], [0, 0, 1, 1], [], []>, transpose_lhs_hint = false} : vector<128x128xf32>, vector<128x128xf32>, vector<128x128xf32> -> vector<128x128xf32>
    %swap3A_126 = arith.constant 1536 : index
    %swap3A_127 = arith.constant 0 : index
    %swap3A_128 = vector.load %arg1[%swap3A_126, %swap3A_127] : memref<10000x128xf32, #tpu.memory_space<vmem>>, vector<128x128xf32>
    tpu.vector_store %arg1[%swap3A_126, %swap3A_127], %dot_general3A_125 {strides = array<i32>} : memref<10000x128xf32, #tpu.memory_space<vmem>>, vector<128x128xf32>,
    %slice3A_129 = vector.extract_strided_slice %div3A_12 {offsets = [13, 0], sizes = [1, 128], strides = [1, 1]} : vector<80x128xf32> to vector<1x128xf32>
    %mul3A_130 = vector.broadcast %slice3A_129 : vector<1x128xf32> to vector<128x128xf32>
    %mul3A_131 = arith.mulf %convert_element_type3A_14, %mul3A_130 : vector<128x128xf32>
    %slice3A_132 = vector.extract_strided_slice %add3A {offsets = [1664, 0], sizes = [128, 128], strides = [1, 1]} : vector<10240x128xf32> to vector<128x128xf32>
    %dot_general3A_133 = arith.constant dense<0.000000e+00> : vector<128x128xf32>
    %dot_general3A_134 = tpu.matmul %mul3A_131, %slice3A_132, %dot_general3A_133 {dimension_numbers = #tpu.dot_dimension_numbers<[1], [0], [0], [1], [0, 0, 1, 1], [], []>, transpose_lhs_hint = false} : vector<128x128xf32>, vector<128x128xf32>, vector<128x128xf32> -> vector<128x128xf32>
    %swap3A_135 = arith.constant 1664 : index
    %swap3A_136 = arith.constant 0 : index
    %swap3A_137 = vector.load %arg1[%swap3A_135, %swap3A_136] : memref<10000x128xf32, #tpu.memory_space<vmem>>, vector<128x128xf32>
    tpu.vector_store %arg1[%swap3A_135, %swap3A_136], %dot_general3A_134 {strides = array<i32>} : memref<10000x128xf32, #tpu.memory_space<vmem>>, vector<128x128xf32>,
    %slice3A_138 = vector.extract_strided_slice %div3A_12 {offsets = [14, 0], sizes = [1, 128], strides = [1, 1]} : vector<80x128xf32> to vector<1x128xf32>
    %mul3A_139 = vector.broadcast %slice3A_138 : vector<1x128xf32> to vector<128x128xf32>
    %mul3A_140 = arith.mulf %convert_element_type3A_14, %mul3A_139 : vector<128x128xf32>
    %slice3A_141 = vector.extract_strided_slice %add3A {offsets = [1792, 0], sizes = [128, 128], strides = [1, 1]} : vector<10240x128xf32> to vector<128x128xf32>
    %dot_general3A_142 = arith.constant dense<0.000000e+00> : vector<128x128xf32>
    %dot_general3A_143 = tpu.matmul %mul3A_140, %slice3A_141, %dot_general3A_142 {dimension_numbers = #tpu.dot_dimension_numbers<[1], [0], [0], [1], [0, 0, 1, 1], [], []>, transpose_lhs_hint = false} : vector<128x128xf32>, vector<128x128xf32>, vector<128x128xf32> -> vector<128x128xf32>
    %swap3A_144 = arith.constant 1792 : index
    %swap3A_145 = arith.constant 0 : index
    %swap3A_146 = vector.load %arg1[%swap3A_144, %swap3A_145] : memref<10000x128xf32, #tpu.memory_space<vmem>>, vector<128x128xf32>
    tpu.vector_store %arg1[%swap3A_144, %swap3A_145], %dot_general3A_143 {strides = array<i32>} : memref<10000x128xf32, #tpu.memory_space<vmem>>, vector<128x128xf32>,
    %slice3A_147 = vector.extract_strided_slice %div3A_12 {offsets = [15, 0], sizes = [1, 128], strides = [1, 1]} : vector<80x128xf32> to vector<1x128xf32>
    %mul3A_148 = vector.broadcast %slice3A_147 : vector<1x128xf32> to vector<128x128xf32>
    %mul3A_149 = arith.mulf %convert_element_type3A_14, %mul3A_148 : vector<128x128xf32>
    %slice3A_150 = vector.extract_strided_slice %add3A {offsets = [1920, 0], sizes = [128, 128], strides = [1, 1]} : vector<10240x128xf32> to vector<128x128xf32>
    %dot_general3A_151 = arith.constant dense<0.000000e+00> : vector<128x128xf32>
    %dot_general3A_152 = tpu.matmul %mul3A_149, %slice3A_150, %dot_general3A_151 {dimension_numbers = #tpu.dot_dimension_numbers<[1], [0], [0], [1], [0, 0, 1, 1], [], []>, transpose_lhs_hint = false} : vector<128x128xf32>, vector<128x128xf32>, vector<128x128xf32> -> vector<128x128xf32>
    %swap3A_153 = arith.constant 1920 : index
    %swap3A_154 = arith.constant 0 : index
    %swap3A_155 = vector.load %arg1[%swap3A_153, %swap3A_154] : memref<10000x128xf32, #tpu.memory_space<vmem>>, vector<128x128xf32>
    tpu.vector_store %arg1[%swap3A_153, %swap3A_154], %dot_general3A_152 {strides = array<i32>} : memref<10000x128xf32, #tpu.memory_space<vmem>>, vector<128x128xf32>,
    %slice3A_156 = vector.extract_strided_slice %div3A_12 {offsets = [16, 0], sizes = [1, 128], strides = [1, 1]} : vector<80x128xf32> to vector<1x128xf32>
    %mul3A_157 = vector.broadcast %slice3A_156 : vector<1x128xf32> to vector<128x128xf32>
    %mul3A_158 = arith.mulf %convert_element_type3A_14, %mul3A_157 : vector<128x128xf32>
    %slice3A_159 = vector.extract_strided_slice %add3A {offsets = [2048, 0], sizes = [128, 128], strides = [1, 1]} : vector<10240x128xf32> to vector<128x128xf32>
    %dot_general3A_160 = arith.constant dense<0.000000e+00> : vector<128x128xf32>
    %dot_general3A_161 = tpu.matmul %mul3A_158, %slice3A_159, %dot_general3A_160 {dimension_numbers = #tpu.dot_dimension_numbers<[1], [0], [0], [1], [0, 0, 1, 1], [], []>, transpose_lhs_hint = false} : vector<128x128xf32>, vector<128x128xf32>, vector<128x128xf32> -> vector<128x128xf32>
    %swap3A_162 = arith.constant 2048 : index
    %swap3A_163 = arith.constant 0 : index
    %swap3A_164 = vector.load %arg1[%swap3A_162, %swap3A_163] : memref<10000x128xf32, #tpu.memory_space<vmem>>, vector<128x128xf32>
    tpu.vector_store %arg1[%swap3A_162, %swap3A_163], %dot_general3A_161 {strides = array<i32>} : memref<10000x128xf32, #tpu.memory_space<vmem>>, vector<128x128xf32>,
    %slice3A_165 = vector.extract_strided_slice %div3A_12 {offsets = [17, 0], sizes = [1, 128], strides = [1, 1]} : vector<80x128xf32> to vector<1x128xf32>
    %mul3A_166 = vector.broadcast %slice3A_165 : vector<1x128xf32> to vector<128x128xf32>
    %mul3A_167 = arith.mulf %convert_element_type3A_14, %mul3A_166 : vector<128x128xf32>
    %slice3A_168 = vector.extract_strided_slice %add3A {offsets = [2176, 0], sizes = [128, 128], strides = [1, 1]} : vector<10240x128xf32> to vector<128x128xf32>
    %dot_general3A_169 = arith.constant dense<0.000000e+00> : vector<128x128xf32>
    %dot_general3A_170 = tpu.matmul %mul3A_167, %slice3A_168, %dot_general3A_169 {dimension_numbers = #tpu.dot_dimension_numbers<[1], [0], [0], [1], [0, 0, 1, 1], [], []>, transpose_lhs_hint = false} : vector<128x128xf32>, vector<128x128xf32>, vector<128x128xf32> -> vector<128x128xf32>
    %swap3A_171 = arith.constant 2176 : index
    %swap3A_172 = arith.constant 0 : index
    %swap3A_173 = vector.load %arg1[%swap3A_171, %swap3A_172] : memref<10000x128xf32, #tpu.memory_space<vmem>>, vector<128x128xf32>
    tpu.vector_store %arg1[%swap3A_171, %swap3A_172], %dot_general3A_170 {strides = array<i32>} : memref<10000x128xf32, #tpu.memory_space<vmem>>, vector<128x128xf32>,
    %slice3A_174 = vector.extract_strided_slice %div3A_12 {offsets = [18, 0], sizes = [1, 128], strides = [1, 1]} : vector<80x128xf32> to vector<1x128xf32>
    %mul3A_175 = vector.broadcast %slice3A_174 : vector<1x128xf32> to vector<128x128xf32>
    %mul3A_176 = arith.mulf %convert_element_type3A_14, %mul3A_175 : vector<128x128xf32>
    %slice3A_177 = vector.extract_strided_slice %add3A {offsets = [2304, 0], sizes = [128, 128], strides = [1, 1]} : vector<10240x128xf32> to vector<128x128xf32>
    %dot_general3A_178 = arith.constant dense<0.000000e+00> : vector<128x128xf32>
    %dot_general3A_179 = tpu.matmul %mul3A_176, %slice3A_177, %dot_general3A_178 {dimension_numbers = #tpu.dot_dimension_numbers<[1], [0], [0], [1], [0, 0, 1, 1], [], []>, transpose_lhs_hint = false} : vector<128x128xf32>, vector<128x128xf32>, vector<128x128xf32> -> vector<128x128xf32>
    %swap3A_180 = arith.constant 2304 : index
    %swap3A_181 = arith.constant 0 : index
    %swap3A_182 = vector.load %arg1[%swap3A_180, %swap3A_181] : memref<10000x128xf32, #tpu.memory_space<vmem>>, vector<128x128xf32>
    tpu.vector_store %arg1[%swap3A_180, %swap3A_181], %dot_general3A_179 {strides = array<i32>} : memref<10000x128xf32, #tpu.memory_space<vmem>>, vector<128x128xf32>,
    %slice3A_183 = vector.extract_strided_slice %div3A_12 {offsets = [19, 0], sizes = [1, 128], strides = [1, 1]} : vector<80x128xf32> to vector<1x128xf32>
    %mul3A_184 = vector.broadcast %slice3A_183 : vector<1x128xf32> to vector<128x128xf32>
    %mul3A_185 = arith.mulf %convert_element_type3A_14, %mul3A_184 : vector<128x128xf32>
    %slice3A_186 = vector.extract_strided_slice %add3A {offsets = [2432, 0], sizes = [128, 128], strides = [1, 1]} : vector<10240x128xf32> to vector<128x128xf32>
    %dot_general3A_187 = arith.constant dense<0.000000e+00> : vector<128x128xf32>
    %dot_general3A_188 = tpu.matmul %mul3A_185, %slice3A_186, %dot_general3A_187 {dimension_numbers = #tpu.dot_dimension_numbers<[1], [0], [0], [1], [0, 0, 1, 1], [], []>, transpose_lhs_hint = false} : vector<128x128xf32>, vector<128x128xf32>, vector<128x128xf32> -> vector<128x128xf32>
    %swap3A_189 = arith.constant 2432 : index
    %swap3A_190 = arith.constant 0 : index
    %swap3A_191 = vector.load %arg1[%swap3A_189, %swap3A_190] : memref<10000x128xf32, #tpu.memory_space<vmem>>, vector<128x128xf32>
    tpu.vector_store %arg1[%swap3A_189, %swap3A_190], %dot_general3A_188 {strides = array<i32>} : memref<10000x128xf32, #tpu.memory_space<vmem>>, vector<128x128xf32>,
    %slice3A_192 = vector.extract_strided_slice %div3A_12 {offsets = [20, 0], sizes = [1, 128], strides = [1, 1]} : vector<80x128xf32> to vector<1x128xf32>
    %mul3A_193 = vector.broadcast %slice3A_192 : vector<1x128xf32> to vector<128x128xf32>
    %mul3A_194 = arith.mulf %convert_element_type3A_14, %mul3A_193 : vector<128x128xf32>
    %slice3A_195 = vector.extract_strided_slice %add3A {offsets = [2560, 0], sizes = [128, 128], strides = [1, 1]} : vector<10240x128xf32> to vector<128x128xf32>
    %dot_general3A_196 = arith.constant dense<0.000000e+00> : vector<128x128xf32>
    %dot_general3A_197 = tpu.matmul %mul3A_194, %slice3A_195, %dot_general3A_196 {dimension_numbers = #tpu.dot_dimension_numbers<[1], [0], [0], [1], [0, 0, 1, 1], [], []>, transpose_lhs_hint = false} : vector<128x128xf32>, vector<128x128xf32>, vector<128x128xf32> -> vector<128x128xf32>
    %swap3A_198 = arith.constant 2560 : index
    %swap3A_199 = arith.constant 0 : index
    %swap3A_200 = vector.load %arg1[%swap3A_198, %swap3A_199] : memref<10000x128xf32, #tpu.memory_space<vmem>>, vector<128x128xf32>
    tpu.vector_store %arg1[%swap3A_198, %swap3A_199], %dot_general3A_197 {strides = array<i32>} : memref<10000x128xf32, #tpu.memory_space<vmem>>, vector<128x128xf32>,
    %slice3A_201 = vector.extract_strided_slice %div3A_12 {offsets = [21, 0], sizes = [1, 128], strides = [1, 1]} : vector<80x128xf32> to vector<1x128xf32>
    %mul3A_202 = vector.broadcast %slice3A_201 : vector<1x128xf32> to vector<128x128xf32>
    %mul3A_203 = arith.mulf %convert_element_type3A_14, %mul3A_202 : vector<128x128xf32>
    %slice3A_204 = vector.extract_strided_slice %add3A {offsets = [2688, 0], sizes = [128, 128], strides = [1, 1]} : vector<10240x128xf32> to vector<128x128xf32>
    %dot_general3A_205 = arith.constant dense<0.000000e+00> : vector<128x128xf32>
    %dot_general3A_206 = tpu.matmul %mul3A_203, %slice3A_204, %dot_general3A_205 {dimension_numbers = #tpu.dot_dimension_numbers<[1], [0], [0], [1], [0, 0, 1, 1], [], []>, transpose_lhs_hint = false} : vector<128x128xf32>, vector<128x128xf32>, vector<128x128xf32> -> vector<128x128xf32>
    %swap3A_207 = arith.constant 2688 : index
    %swap3A_208 = arith.constant 0 : index
    %swap3A_209 = vector.load %arg1[%swap3A_207, %swap3A_208] : memref<10000x128xf32, #tpu.memory_space<vmem>>, vector<128x128xf32>
    tpu.vector_store %arg1[%swap3A_207, %swap3A_208], %dot_general3A_206 {strides = array<i32>} : memref<10000x128xf32, #tpu.memory_space<vmem>>, vector<128x128xf32>,
    %slice3A_210 = vector.extract_strided_slice %div3A_12 {offsets = [22, 0], sizes = [1, 128], strides = [1, 1]} : vector<80x128xf32> to vector<1x128xf32>
    %mul3A_211 = vector.broadcast %slice3A_210 : vector<1x128xf32> to vector<128x128xf32>
    %mul3A_212 = arith.mulf %convert_element_type3A_14, %mul3A_211 : vector<128x128xf32>
    %slice3A_213 = vector.extract_strided_slice %add3A {offsets = [2816, 0], sizes = [128, 128], strides = [1, 1]} : vector<10240x128xf32> to vector<128x128xf32>
    %dot_general3A_214 = arith.constant dense<0.000000e+00> : vector<128x128xf32>
    %dot_general3A_215 = tpu.matmul %mul3A_212, %slice3A_213, %dot_general3A_214 {dimension_numbers = #tpu.dot_dimension_numbers<[1], [0], [0], [1], [0, 0, 1, 1], [], []>, transpose_lhs_hint = false} : vector<128x128xf32>, vector<128x128xf32>, vector<128x128xf32> -> vector<128x128xf32>
    %swap3A_216 = arith.constant 2816 : index
    %swap3A_217 = arith.constant 0 : index
    %swap3A_218 = vector.load %arg1[%swap3A_216, %swap3A_217] : memref<10000x128xf32, #tpu.memory_space<vmem>>, vector<128x128xf32>
    tpu.vector_store %arg1[%swap3A_216, %swap3A_217], %dot_general3A_215 {strides = array<i32>} : memref<10000x128xf32, #tpu.memory_space<vmem>>, vector<128x128xf32>,
    %slice3A_219 = vector.extract_strided_slice %div3A_12 {offsets = [23, 0], sizes = [1, 128], strides = [1, 1]} : vector<80x128xf32> to vector<1x128xf32>
    %mul3A_220 = vector.broadcast %slice3A_219 : vector<1x128xf32> to vector<128x128xf32>
    %mul3A_221 = arith.mulf %convert_element_type3A_14, %mul3A_220 : vector<128x128xf32>
    %slice3A_222 = vector.extract_strided_slice %add3A {offsets = [2944, 0], sizes = [128, 128], strides = [1, 1]} : vector<10240x128xf32> to vector<128x128xf32>
    %dot_general3A_223 = arith.constant dense<0.000000e+00> : vector<128x128xf32>
    %dot_general3A_224 = tpu.matmul %mul3A_221, %slice3A_222, %dot_general3A_223 {dimension_numbers = #tpu.dot_dimension_numbers<[1], [0], [0], [1], [0, 0, 1, 1], [], []>, transpose_lhs_hint = false} : vector<128x128xf32>, vector<128x128xf32>, vector<128x128xf32> -> vector<128x128xf32>
    %swap3A_225 = arith.constant 2944 : index
    %swap3A_226 = arith.constant 0 : index
    %swap3A_227 = vector.load %arg1[%swap3A_225, %swap3A_226] : memref<10000x128xf32, #tpu.memory_space<vmem>>, vector<128x128xf32>
    tpu.vector_store %arg1[%swap3A_225, %swap3A_226], %dot_general3A_224 {strides = array<i32>} : memref<10000x128xf32, #tpu.memory_space<vmem>>, vector<128x128xf32>,
    %slice3A_228 = vector.extract_strided_slice %div3A_12 {offsets = [24, 0], sizes = [1, 128], strides = [1, 1]} : vector<80x128xf32> to vector<1x128xf32>
    %mul3A_229 = vector.broadcast %slice3A_228 : vector<1x128xf32> to vector<128x128xf32>
    %mul3A_230 = arith.mulf %convert_element_type3A_14, %mul3A_229 : vector<128x128xf32>
    %slice3A_231 = vector.extract_strided_slice %add3A {offsets = [3072, 0], sizes = [128, 128], strides = [1, 1]} : vector<10240x128xf32> to vector<128x128xf32>
    %dot_general3A_232 = arith.constant dense<0.000000e+00> : vector<128x128xf32>
    %dot_general3A_233 = tpu.matmul %mul3A_230, %slice3A_231, %dot_general3A_232 {dimension_numbers = #tpu.dot_dimension_numbers<[1], [0], [0], [1], [0, 0, 1, 1], [], []>, transpose_lhs_hint = false} : vector<128x128xf32>, vector<128x128xf32>, vector<128x128xf32> -> vector<128x128xf32>
    %swap3A_234 = arith.constant 3072 : index
    %swap3A_235 = arith.constant 0 : index
    %swap3A_236 = vector.load %arg1[%swap3A_234, %swap3A_235] : memref<10000x128xf32, #tpu.memory_space<vmem>>, vector<128x128xf32>
    tpu.vector_store %arg1[%swap3A_234, %swap3A_235], %dot_general3A_233 {strides = array<i32>} : memref<10000x128xf32, #tpu.memory_space<vmem>>, vector<128x128xf32>,
    %slice3A_237 = vector.extract_strided_slice %div3A_12 {offsets = [25, 0], sizes = [1, 128], strides = [1, 1]} : vector<80x128xf32> to vector<1x128xf32>
    %mul3A_238 = vector.broadcast %slice3A_237 : vector<1x128xf32> to vector<128x128xf32>
    %mul3A_239 = arith.mulf %convert_element_type3A_14, %mul3A_238 : vector<128x128xf32>
    %slice3A_240 = vector.extract_strided_slice %add3A {offsets = [3200, 0], sizes = [128, 128], strides = [1, 1]} : vector<10240x128xf32> to vector<128x128xf32>
    %dot_general3A_241 = arith.constant dense<0.000000e+00> : vector<128x128xf32>
    %dot_general3A_242 = tpu.matmul %mul3A_239, %slice3A_240, %dot_general3A_241 {dimension_numbers = #tpu.dot_dimension_numbers<[1], [0], [0], [1], [0, 0, 1, 1], [], []>, transpose_lhs_hint = false} : vector<128x128xf32>, vector<128x128xf32>, vector<128x128xf32> -> vector<128x128xf32>
    %swap3A_243 = arith.constant 3200 : index
    %swap3A_244 = arith.constant 0 : index
    %swap3A_245 = vector.load %arg1[%swap3A_243, %swap3A_244] : memref<10000x128xf32, #tpu.memory_space<vmem>>, vector<128x128xf32>
    tpu.vector_store %arg1[%swap3A_243, %swap3A_244], %dot_general3A_242 {strides = array<i32>} : memref<10000x128xf32, #tpu.memory_space<vmem>>, vector<128x128xf32>,
    %slice3A_246 = vector.extract_strided_slice %div3A_12 {offsets = [26, 0], sizes = [1, 128], strides = [1, 1]} : vector<80x128xf32> to vector<1x128xf32>
    %mul3A_247 = vector.broadcast %slice3A_246 : vector<1x128xf32> to vector<128x128xf32>
    %mul3A_248 = arith.mulf %convert_element_type3A_14, %mul3A_247 : vector<128x128xf32>
    %slice3A_249 = vector.extract_strided_slice %add3A {offsets = [3328, 0], sizes = [128, 128], strides = [1, 1]} : vector<10240x128xf32> to vector<128x128xf32>
    %dot_general3A_250 = arith.constant dense<0.000000e+00> : vector<128x128xf32>
    %dot_general3A_251 = tpu.matmul %mul3A_248, %slice3A_249, %dot_general3A_250 {dimension_numbers = #tpu.dot_dimension_numbers<[1], [0], [0], [1], [0, 0, 1, 1], [], []>, transpose_lhs_hint = false} : vector<128x128xf32>, vector<128x128xf32>, vector<128x128xf32> -> vector<128x128xf32>
    %swap3A_252 = arith.constant 3328 : index
    %swap3A_253 = arith.constant 0 : index
    %swap3A_254 = vector.load %arg1[%swap3A_252, %swap3A_253] : memref<10000x128xf32, #tpu.memory_space<vmem>>, vector<128x128xf32>
    tpu.vector_store %arg1[%swap3A_252, %swap3A_253], %dot_general3A_251 {strides = array<i32>} : memref<10000x128xf32, #tpu.memory_space<vmem>>, vector<128x128xf32>,
    %slice3A_255 = vector.extract_strided_slice %div3A_12 {offsets = [27, 0], sizes = [1, 128], strides = [1, 1]} : vector<80x128xf32> to vector<1x128xf32>
    %mul3A_256 = vector.broadcast %slice3A_255 : vector<1x128xf32> to vector<128x128xf32>
    %mul3A_257 = arith.mulf %convert_element_type3A_14, %mul3A_256 : vector<128x128xf32>
    %slice3A_258 = vector.extract_strided_slice %add3A {offsets = [3456, 0], sizes = [128, 128], strides = [1, 1]} : vector<10240x128xf32> to vector<128x128xf32>
    %dot_general3A_259 = arith.constant dense<0.000000e+00> : vector<128x128xf32>
    %dot_general3A_260 = tpu.matmul %mul3A_257, %slice3A_258, %dot_general3A_259 {dimension_numbers = #tpu.dot_dimension_numbers<[1], [0], [0], [1], [0, 0, 1, 1], [], []>, transpose_lhs_hint = false} : vector<128x128xf32>, vector<128x128xf32>, vector<128x128xf32> -> vector<128x128xf32>
    %swap3A_261 = arith.constant 3456 : index
    %swap3A_262 = arith.constant 0 : index
    %swap3A_263 = vector.load %arg1[%swap3A_261, %swap3A_262] : memref<10000x128xf32, #tpu.memory_space<vmem>>, vector<128x128xf32>
    tpu.vector_store %arg1[%swap3A_261, %swap3A_262], %dot_general3A_260 {strides = array<i32>} : memref<10000x128xf32, #tpu.memory_space<vmem>>, vector<128x128xf32>,
    %slice3A_264 = vector.extract_strided_slice %div3A_12 {offsets = [28, 0], sizes = [1, 128], strides = [1, 1]} : vector<80x128xf32> to vector<1x128xf32>
    %mul3A_265 = vector.broadcast %slice3A_264 : vector<1x128xf32> to vector<128x128xf32>
    %mul3A_266 = arith.mulf %convert_element_type3A_14, %mul3A_265 : vector<128x128xf32>
    %slice3A_267 = vector.extract_strided_slice %add3A {offsets = [3584, 0], sizes = [128, 128], strides = [1, 1]} : vector<10240x128xf32> to vector<128x128xf32>
    %dot_general3A_268 = arith.constant dense<0.000000e+00> : vector<128x128xf32>
    %dot_general3A_269 = tpu.matmul %mul3A_266, %slice3A_267, %dot_general3A_268 {dimension_numbers = #tpu.dot_dimension_numbers<[1], [0], [0], [1], [0, 0, 1, 1], [], []>, transpose_lhs_hint = false} : vector<128x128xf32>, vector<128x128xf32>, vector<128x128xf32> -> vector<128x128xf32>
    %swap3A_270 = arith.constant 3584 : index
    %swap3A_271 = arith.constant 0 : index
    %swap3A_272 = vector.load %arg1[%swap3A_270, %swap3A_271] : memref<10000x128xf32, #tpu.memory_space<vmem>>, vector<128x128xf32>
    tpu.vector_store %arg1[%swap3A_270, %swap3A_271], %dot_general3A_269 {strides = array<i32>} : memref<10000x128xf32, #tpu.memory_space<vmem>>, vector<128x128xf32>,
    %slice3A_273 = vector.extract_strided_slice %div3A_12 {offsets = [29, 0], sizes = [1, 128], strides = [1, 1]} : vector<80x128xf32> to vector<1x128xf32>
    %mul3A_274 = vector.broadcast %slice3A_273 : vector<1x128xf32> to vector<128x128xf32>
    %mul3A_275 = arith.mulf %convert_element_type3A_14, %mul3A_274 : vector<128x128xf32>
    %slice3A_276 = vector.extract_strided_slice %add3A {offsets = [3712, 0], sizes = [128, 128], strides = [1, 1]} : vector<10240x128xf32> to vector<128x128xf32>
    %dot_general3A_277 = arith.constant dense<0.000000e+00> : vector<128x128xf32>
    %dot_general3A_278 = tpu.matmul %mul3A_275, %slice3A_276, %dot_general3A_277 {dimension_numbers = #tpu.dot_dimension_numbers<[1], [0], [0], [1], [0, 0, 1, 1], [], []>, transpose_lhs_hint = false} : vector<128x128xf32>, vector<128x128xf32>, vector<128x128xf32> -> vector<128x128xf32>
    %swap3A_279 = arith.constant 3712 : index
    %swap3A_280 = arith.constant 0 : index
    %swap3A_281 = vector.load %arg1[%swap3A_279, %swap3A_280] : memref<10000x128xf32, #tpu.memory_space<vmem>>, vector<128x128xf32>
    tpu.vector_store %arg1[%swap3A_279, %swap3A_280], %dot_general3A_278 {strides = array<i32>} : memref<10000x128xf32, #tpu.memory_space<vmem>>, vector<128x128xf32>,
    %slice3A_282 = vector.extract_strided_slice %div3A_12 {offsets = [30, 0], sizes = [1, 128], strides = [1, 1]} : vector<80x128xf32> to vector<1x128xf32>
    %mul3A_283 = vector.broadcast %slice3A_282 : vector<1x128xf32> to vector<128x128xf32>
    %mul3A_284 = arith.mulf %convert_element_type3A_14, %mul3A_283 : vector<128x128xf32>
    %slice3A_285 = vector.extract_strided_slice %add3A {offsets = [3840, 0], sizes = [128, 128], strides = [1, 1]} : vector<10240x128xf32> to vector<128x128xf32>
    %dot_general3A_286 = arith.constant dense<0.000000e+00> : vector<128x128xf32>
    %dot_general3A_287 = tpu.matmul %mul3A_284, %slice3A_285, %dot_general3A_286 {dimension_numbers = #tpu.dot_dimension_numbers<[1], [0], [0], [1], [0, 0, 1, 1], [], []>, transpose_lhs_hint = false} : vector<128x128xf32>, vector<128x128xf32>, vector<128x128xf32> -> vector<128x128xf32>
    %swap3A_288 = arith.constant 3840 : index
    %swap3A_289 = arith.constant 0 : index
    %swap3A_290 = vector.load %arg1[%swap3A_288, %swap3A_289] : memref<10000x128xf32, #tpu.memory_space<vmem>>, vector<128x128xf32>
    tpu.vector_store %arg1[%swap3A_288, %swap3A_289], %dot_general3A_287 {strides = array<i32>} : memref<10000x128xf32, #tpu.memory_space<vmem>>, vector<128x128xf32>,
    %slice3A_291 = vector.extract_strided_slice %div3A_12 {offsets = [31, 0], sizes = [1, 128], strides = [1, 1]} : vector<80x128xf32> to vector<1x128xf32>
    %mul3A_292 = vector.broadcast %slice3A_291 : vector<1x128xf32> to vector<128x128xf32>
    %mul3A_293 = arith.mulf %convert_element_type3A_14, %mul3A_292 : vector<128x128xf32>
    %slice3A_294 = vector.extract_strided_slice %add3A {offsets = [3968, 0], sizes = [128, 128], strides = [1, 1]} : vector<10240x128xf32> to vector<128x128xf32>
    %dot_general3A_295 = arith.constant dense<0.000000e+00> : vector<128x128xf32>
    %dot_general3A_296 = tpu.matmul %mul3A_293, %slice3A_294, %dot_general3A_295 {dimension_numbers = #tpu.dot_dimension_numbers<[1], [0], [0], [1], [0, 0, 1, 1], [], []>, transpose_lhs_hint = false} : vector<128x128xf32>, vector<128x128xf32>, vector<128x128xf32> -> vector<128x128xf32>
    %swap3A_297 = arith.constant 3968 : index
    %swap3A_298 = arith.constant 0 : index
    %swap3A_299 = vector.load %arg1[%swap3A_297, %swap3A_298] : memref<10000x128xf32, #tpu.memory_space<vmem>>, vector<128x128xf32>
    tpu.vector_store %arg1[%swap3A_297, %swap3A_298], %dot_general3A_296 {strides = array<i32>} : memref<10000x128xf32, #tpu.memory_space<vmem>>, vector<128x128xf32>,
    %slice3A_300 = vector.extract_strided_slice %div3A_12 {offsets = [32, 0], sizes = [1, 128], strides = [1, 1]} : vector<80x128xf32> to vector<1x128xf32>
    %mul3A_301 = vector.broadcast %slice3A_300 : vector<1x128xf32> to vector<128x128xf32>
    %mul3A_302 = arith.mulf %convert_element_type3A_14, %mul3A_301 : vector<128x128xf32>
    %slice3A_303 = vector.extract_strided_slice %add3A {offsets = [4096, 0], sizes = [128, 128], strides = [1, 1]} : vector<10240x128xf32> to vector<128x128xf32>
    %dot_general3A_304 = arith.constant dense<0.000000e+00> : vector<128x128xf32>
    %dot_general3A_305 = tpu.matmul %mul3A_302, %slice3A_303, %dot_general3A_304 {dimension_numbers = #tpu.dot_dimension_numbers<[1], [0], [0], [1], [0, 0, 1, 1], [], []>, transpose_lhs_hint = false} : vector<128x128xf32>, vector<128x128xf32>, vector<128x128xf32> -> vector<128x128xf32>
    %swap3A_306 = arith.constant 4096 : index
    %swap3A_307 = arith.constant 0 : index
    %swap3A_308 = vector.load %arg1[%swap3A_306, %swap3A_307] : memref<10000x128xf32, #tpu.memory_space<vmem>>, vector<128x128xf32>
    tpu.vector_store %arg1[%swap3A_306, %swap3A_307], %dot_general3A_305 {strides = array<i32>} : memref<10000x128xf32, #tpu.memory_space<vmem>>, vector<128x128xf32>,
    %slice3A_309 = vector.extract_strided_slice %div3A_12 {offsets = [33, 0], sizes = [1, 128], strides = [1, 1]} : vector<80x128xf32> to vector<1x128xf32>
    %mul3A_310 = vector.broadcast %slice3A_309 : vector<1x128xf32> to vector<128x128xf32>
    %mul3A_311 = arith.mulf %convert_element_type3A_14, %mul3A_310 : vector<128x128xf32>
    %slice3A_312 = vector.extract_strided_slice %add3A {offsets = [4224, 0], sizes = [128, 128], strides = [1, 1]} : vector<10240x128xf32> to vector<128x128xf32>
    %dot_general3A_313 = arith.constant dense<0.000000e+00> : vector<128x128xf32>
    %dot_general3A_314 = tpu.matmul %mul3A_311, %slice3A_312, %dot_general3A_313 {dimension_numbers = #tpu.dot_dimension_numbers<[1], [0], [0], [1], [0, 0, 1, 1], [], []>, transpose_lhs_hint = false} : vector<128x128xf32>, vector<128x128xf32>, vector<128x128xf32> -> vector<128x128xf32>
    %swap3A_315 = arith.constant 4224 : index
    %swap3A_316 = arith.constant 0 : index
    %swap3A_317 = vector.load %arg1[%swap3A_315, %swap3A_316] : memref<10000x128xf32, #tpu.memory_space<vmem>>, vector<128x128xf32>
    tpu.vector_store %arg1[%swap3A_315, %swap3A_316], %dot_general3A_314 {strides = array<i32>} : memref<10000x128xf32, #tpu.memory_space<vmem>>, vector<128x128xf32>,
    %slice3A_318 = vector.extract_strided_slice %div3A_12 {offsets = [34, 0], sizes = [1, 128], strides = [1, 1]} : vector<80x128xf32> to vector<1x128xf32>
    %mul3A_319 = vector.broadcast %slice3A_318 : vector<1x128xf32> to vector<128x128xf32>
    %mul3A_320 = arith.mulf %convert_element_type3A_14, %mul3A_319 : vector<128x128xf32>
    %slice3A_321 = vector.extract_strided_slice %add3A {offsets = [4352, 0], sizes = [128, 128], strides = [1, 1]} : vector<10240x128xf32> to vector<128x128xf32>
    %dot_general3A_322 = arith.constant dense<0.000000e+00> : vector<128x128xf32>
    %dot_general3A_323 = tpu.matmul %mul3A_320, %slice3A_321, %dot_general3A_322 {dimension_numbers = #tpu.dot_dimension_numbers<[1], [0], [0], [1], [0, 0, 1, 1], [], []>, transpose_lhs_hint = false} : vector<128x128xf32>, vector<128x128xf32>, vector<128x128xf32> -> vector<128x128xf32>
    %swap3A_324 = arith.constant 4352 : index
    %swap3A_325 = arith.constant 0 : index
    %swap3A_326 = vector.load %arg1[%swap3A_324, %swap3A_325] : memref<10000x128xf32, #tpu.memory_space<vmem>>, vector<128x128xf32>
    tpu.vector_store %arg1[%swap3A_324, %swap3A_325], %dot_general3A_323 {strides = array<i32>} : memref<10000x128xf32, #tpu.memory_space<vmem>>, vector<128x128xf32>,
    %slice3A_327 = vector.extract_strided_slice %div3A_12 {offsets = [35, 0], sizes = [1, 128], strides = [1, 1]} : vector<80x128xf32> to vector<1x128xf32>
    %mul3A_328 = vector.broadcast %slice3A_327 : vector<1x128xf32> to vector<128x128xf32>
    %mul3A_329 = arith.mulf %convert_element_type3A_14, %mul3A_328 : vector<128x128xf32>
    %slice3A_330 = vector.extract_strided_slice %add3A {offsets = [4480, 0], sizes = [128, 128], strides = [1, 1]} : vector<10240x128xf32> to vector<128x128xf32>
    %dot_general3A_331 = arith.constant dense<0.000000e+00> : vector<128x128xf32>
    %dot_general3A_332 = tpu.matmul %mul3A_329, %slice3A_330, %dot_general3A_331 {dimension_numbers = #tpu.dot_dimension_numbers<[1], [0], [0], [1], [0, 0, 1, 1], [], []>, transpose_lhs_hint = false} : vector<128x128xf32>, vector<128x128xf32>, vector<128x128xf32> -> vector<128x128xf32>
    %swap3A_333 = arith.constant 4480 : index
    %swap3A_334 = arith.constant 0 : index
    %swap3A_335 = vector.load %arg1[%swap3A_333, %swap3A_334] : memref<10000x128xf32, #tpu.memory_space<vmem>>, vector<128x128xf32>
    tpu.vector_store %arg1[%swap3A_333, %swap3A_334], %dot_general3A_332 {strides = array<i32>} : memref<10000x128xf32, #tpu.memory_space<vmem>>, vector<128x128xf32>,
    %slice3A_336 = vector.extract_strided_slice %div3A_12 {offsets = [36, 0], sizes = [1, 128], strides = [1, 1]} : vector<80x128xf32> to vector<1x128xf32>
    %mul3A_337 = vector.broadcast %slice3A_336 : vector<1x128xf32> to vector<128x128xf32>
    %mul3A_338 = arith.mulf %convert_element_type3A_14, %mul3A_337 : vector<128x128xf32>
    %slice3A_339 = vector.extract_strided_slice %add3A {offsets = [4608, 0], sizes = [128, 128], strides = [1, 1]} : vector<10240x128xf32> to vector<128x128xf32>
    %dot_general3A_340 = arith.constant dense<0.000000e+00> : vector<128x128xf32>
    %dot_general3A_341 = tpu.matmul %mul3A_338, %slice3A_339, %dot_general3A_340 {dimension_numbers = #tpu.dot_dimension_numbers<[1], [0], [0], [1], [0, 0, 1, 1], [], []>, transpose_lhs_hint = false} : vector<128x128xf32>, vector<128x128xf32>, vector<128x128xf32> -> vector<128x128xf32>
    %swap3A_342 = arith.constant 4608 : index
    %swap3A_343 = arith.constant 0 : index
    %swap3A_344 = vector.load %arg1[%swap3A_342, %swap3A_343] : memref<10000x128xf32, #tpu.memory_space<vmem>>, vector<128x128xf32>
    tpu.vector_store %arg1[%swap3A_342, %swap3A_343], %dot_general3A_341 {strides = array<i32>} : memref<10000x128xf32, #tpu.memory_space<vmem>>, vector<128x128xf32>,
    %slice3A_345 = vector.extract_strided_slice %div3A_12 {offsets = [37, 0], sizes = [1, 128], strides = [1, 1]} : vector<80x128xf32> to vector<1x128xf32>
    %mul3A_346 = vector.broadcast %slice3A_345 : vector<1x128xf32> to vector<128x128xf32>
    %mul3A_347 = arith.mulf %convert_element_type3A_14, %mul3A_346 : vector<128x128xf32>
    %slice3A_348 = vector.extract_strided_slice %add3A {offsets = [4736, 0], sizes = [128, 128], strides = [1, 1]} : vector<10240x128xf32> to vector<128x128xf32>
    %dot_general3A_349 = arith.constant dense<0.000000e+00> : vector<128x128xf32>
    %dot_general3A_350 = tpu.matmul %mul3A_347, %slice3A_348, %dot_general3A_349 {dimension_numbers = #tpu.dot_dimension_numbers<[1], [0], [0], [1], [0, 0, 1, 1], [], []>, transpose_lhs_hint = false} : vector<128x128xf32>, vector<128x128xf32>, vector<128x128xf32> -> vector<128x128xf32>
    %swap3A_351 = arith.constant 4736 : index
    %swap3A_352 = arith.constant 0 : index
    %swap3A_353 = vector.load %arg1[%swap3A_351, %swap3A_352] : memref<10000x128xf32, #tpu.memory_space<vmem>>, vector<128x128xf32>
    tpu.vector_store %arg1[%swap3A_351, %swap3A_352], %dot_general3A_350 {strides = array<i32>} : memref<10000x128xf32, #tpu.memory_space<vmem>>, vector<128x128xf32>,
    %slice3A_354 = vector.extract_strided_slice %div3A_12 {offsets = [38, 0], sizes = [1, 128], strides = [1, 1]} : vector<80x128xf32> to vector<1x128xf32>
    %mul3A_355 = vector.broadcast %slice3A_354 : vector<1x128xf32> to vector<128x128xf32>
    %mul3A_356 = arith.mulf %convert_element_type3A_14, %mul3A_355 : vector<128x128xf32>
    %slice3A_357 = vector.extract_strided_slice %add3A {offsets = [4864, 0], sizes = [128, 128], strides = [1, 1]} : vector<10240x128xf32> to vector<128x128xf32>
    %dot_general3A_358 = arith.constant dense<0.000000e+00> : vector<128x128xf32>
    %dot_general3A_359 = tpu.matmul %mul3A_356, %slice3A_357, %dot_general3A_358 {dimension_numbers = #tpu.dot_dimension_numbers<[1], [0], [0], [1], [0, 0, 1, 1], [], []>, transpose_lhs_hint = false} : vector<128x128xf32>, vector<128x128xf32>, vector<128x128xf32> -> vector<128x128xf32>
    %swap3A_360 = arith.constant 4864 : index
    %swap3A_361 = arith.constant 0 : index
    %swap3A_362 = vector.load %arg1[%swap3A_360, %swap3A_361] : memref<10000x128xf32, #tpu.memory_space<vmem>>, vector<128x128xf32>
    tpu.vector_store %arg1[%swap3A_360, %swap3A_361], %dot_general3A_359 {strides = array<i32>} : memref<10000x128xf32, #tpu.memory_space<vmem>>, vector<128x128xf32>,
    %slice3A_363 = vector.extract_strided_slice %div3A_12 {offsets = [39, 0], sizes = [1, 128], strides = [1, 1]} : vector<80x128xf32> to vector<1x128xf32>
    %mul3A_364 = vector.broadcast %slice3A_363 : vector<1x128xf32> to vector<128x128xf32>
    %mul3A_365 = arith.mulf %convert_element_type3A_14, %mul3A_364 : vector<128x128xf32>
    %slice3A_366 = vector.extract_strided_slice %add3A {offsets = [4992, 0], sizes = [128, 128], strides = [1, 1]} : vector<10240x128xf32> to vector<128x128xf32>
    %dot_general3A_367 = arith.constant dense<0.000000e+00> : vector<128x128xf32>
    %dot_general3A_368 = tpu.matmul %mul3A_365, %slice3A_366, %dot_general3A_367 {dimension_numbers = #tpu.dot_dimension_numbers<[1], [0], [0], [1], [0, 0, 1, 1], [], []>, transpose_lhs_hint = false} : vector<128x128xf32>, vector<128x128xf32>, vector<128x128xf32> -> vector<128x128xf32>
    %swap3A_369 = arith.constant 4992 : index
    %swap3A_370 = arith.constant 0 : index
    %swap3A_371 = vector.load %arg1[%swap3A_369, %swap3A_370] : memref<10000x128xf32, #tpu.memory_space<vmem>>, vector<128x128xf32>
    tpu.vector_store %arg1[%swap3A_369, %swap3A_370], %dot_general3A_368 {strides = array<i32>} : memref<10000x128xf32, #tpu.memory_space<vmem>>, vector<128x128xf32>,
    %slice3A_372 = vector.extract_strided_slice %div3A_12 {offsets = [40, 0], sizes = [1, 128], strides = [1, 1]} : vector<80x128xf32> to vector<1x128xf32>
    %mul3A_373 = vector.broadcast %slice3A_372 : vector<1x128xf32> to vector<128x128xf32>
    %mul3A_374 = arith.mulf %convert_element_type3A_14, %mul3A_373 : vector<128x128xf32>
    %slice3A_375 = vector.extract_strided_slice %add3A {offsets = [5120, 0], sizes = [128, 128], strides = [1, 1]} : vector<10240x128xf32> to vector<128x128xf32>
    %dot_general3A_376 = arith.constant dense<0.000000e+00> : vector<128x128xf32>
    %dot_general3A_377 = tpu.matmul %mul3A_374, %slice3A_375, %dot_general3A_376 {dimension_numbers = #tpu.dot_dimension_numbers<[1], [0], [0], [1], [0, 0, 1, 1], [], []>, transpose_lhs_hint = false} : vector<128x128xf32>, vector<128x128xf32>, vector<128x128xf32> -> vector<128x128xf32>
    %swap3A_378 = arith.constant 5120 : index
    %swap3A_379 = arith.constant 0 : index
    %swap3A_380 = vector.load %arg1[%swap3A_378, %swap3A_379] : memref<10000x128xf32, #tpu.memory_space<vmem>>, vector<128x128xf32>
    tpu.vector_store %arg1[%swap3A_378, %swap3A_379], %dot_general3A_377 {strides = array<i32>} : memref<10000x128xf32, #tpu.memory_space<vmem>>, vector<128x128xf32>,
    %slice3A_381 = vector.extract_strided_slice %div3A_12 {offsets = [41, 0], sizes = [1, 128], strides = [1, 1]} : vector<80x128xf32> to vector<1x128xf32>
    %mul3A_382 = vector.broadcast %slice3A_381 : vector<1x128xf32> to vector<128x128xf32>
    %mul3A_383 = arith.mulf %convert_element_type3A_14, %mul3A_382 : vector<128x128xf32>
    %slice3A_384 = vector.extract_strided_slice %add3A {offsets = [5248, 0], sizes = [128, 128], strides = [1, 1]} : vector<10240x128xf32> to vector<128x128xf32>
    %dot_general3A_385 = arith.constant dense<0.000000e+00> : vector<128x128xf32>
    %dot_general3A_386 = tpu.matmul %mul3A_383, %slice3A_384, %dot_general3A_385 {dimension_numbers = #tpu.dot_dimension_numbers<[1], [0], [0], [1], [0, 0, 1, 1], [], []>, transpose_lhs_hint = false} : vector<128x128xf32>, vector<128x128xf32>, vector<128x128xf32> -> vector<128x128xf32>
    %swap3A_387 = arith.constant 5248 : index
    %swap3A_388 = arith.constant 0 : index
    %swap3A_389 = vector.load %arg1[%swap3A_387, %swap3A_388] : memref<10000x128xf32, #tpu.memory_space<vmem>>, vector<128x128xf32>
    tpu.vector_store %arg1[%swap3A_387, %swap3A_388], %dot_general3A_386 {strides = array<i32>} : memref<10000x128xf32, #tpu.memory_space<vmem>>, vector<128x128xf32>,
    %slice3A_390 = vector.extract_strided_slice %div3A_12 {offsets = [42, 0], sizes = [1, 128], strides = [1, 1]} : vector<80x128xf32> to vector<1x128xf32>
    %mul3A_391 = vector.broadcast %slice3A_390 : vector<1x128xf32> to vector<128x128xf32>
    %mul3A_392 = arith.mulf %convert_element_type3A_14, %mul3A_391 : vector<128x128xf32>
    %slice3A_393 = vector.extract_strided_slice %add3A {offsets = [5376, 0], sizes = [128, 128], strides = [1, 1]} : vector<10240x128xf32> to vector<128x128xf32>
    %dot_general3A_394 = arith.constant dense<0.000000e+00> : vector<128x128xf32>
    %dot_general3A_395 = tpu.matmul %mul3A_392, %slice3A_393, %dot_general3A_394 {dimension_numbers = #tpu.dot_dimension_numbers<[1], [0], [0], [1], [0, 0, 1, 1], [], []>, transpose_lhs_hint = false} : vector<128x128xf32>, vector<128x128xf32>, vector<128x128xf32> -> vector<128x128xf32>
    %swap3A_396 = arith.constant 5376 : index
    %swap3A_397 = arith.constant 0 : index
    %swap3A_398 = vector.load %arg1[%swap3A_396, %swap3A_397] : memref<10000x128xf32, #tpu.memory_space<vmem>>, vector<128x128xf32>
    tpu.vector_store %arg1[%swap3A_396, %swap3A_397], %dot_general3A_395 {strides = array<i32>} : memref<10000x128xf32, #tpu.memory_space<vmem>>, vector<128x128xf32>,
    %slice3A_399 = vector.extract_strided_slice %div3A_12 {offsets = [43, 0], sizes = [1, 128], strides = [1, 1]} : vector<80x128xf32> to vector<1x128xf32>
    %mul3A_400 = vector.broadcast %slice3A_399 : vector<1x128xf32> to vector<128x128xf32>
    %mul3A_401 = arith.mulf %convert_element_type3A_14, %mul3A_400 : vector<128x128xf32>
    %slice3A_402 = vector.extract_strided_slice %add3A {offsets = [5504, 0], sizes = [128, 128], strides = [1, 1]} : vector<10240x128xf32> to vector<128x128xf32>
    %dot_general3A_403 = arith.constant dense<0.000000e+00> : vector<128x128xf32>
    %dot_general3A_404 = tpu.matmul %mul3A_401, %slice3A_402, %dot_general3A_403 {dimension_numbers = #tpu.dot_dimension_numbers<[1], [0], [0], [1], [0, 0, 1, 1], [], []>, transpose_lhs_hint = false} : vector<128x128xf32>, vector<128x128xf32>, vector<128x128xf32> -> vector<128x128xf32>
    %swap3A_405 = arith.constant 5504 : index
    %swap3A_406 = arith.constant 0 : index
    %swap3A_407 = vector.load %arg1[%swap3A_405, %swap3A_406] : memref<10000x128xf32, #tpu.memory_space<vmem>>, vector<128x128xf32>
    tpu.vector_store %arg1[%swap3A_405, %swap3A_406], %dot_general3A_404 {strides = array<i32>} : memref<10000x128xf32, #tpu.memory_space<vmem>>, vector<128x128xf32>,
    %slice3A_408 = vector.extract_strided_slice %div3A_12 {offsets = [44, 0], sizes = [1, 128], strides = [1, 1]} : vector<80x128xf32> to vector<1x128xf32>
    %mul3A_409 = vector.broadcast %slice3A_408 : vector<1x128xf32> to vector<128x128xf32>
    %mul3A_410 = arith.mulf %convert_element_type3A_14, %mul3A_409 : vector<128x128xf32>
    %slice3A_411 = vector.extract_strided_slice %add3A {offsets = [5632, 0], sizes = [128, 128], strides = [1, 1]} : vector<10240x128xf32> to vector<128x128xf32>
    %dot_general3A_412 = arith.constant dense<0.000000e+00> : vector<128x128xf32>
    %dot_general3A_413 = tpu.matmul %mul3A_410, %slice3A_411, %dot_general3A_412 {dimension_numbers = #tpu.dot_dimension_numbers<[1], [0], [0], [1], [0, 0, 1, 1], [], []>, transpose_lhs_hint = false} : vector<128x128xf32>, vector<128x128xf32>, vector<128x128xf32> -> vector<128x128xf32>
    %swap3A_414 = arith.constant 5632 : index
    %swap3A_415 = arith.constant 0 : index
    %swap3A_416 = vector.load %arg1[%swap3A_414, %swap3A_415] : memref<10000x128xf32, #tpu.memory_space<vmem>>, vector<128x128xf32>
    tpu.vector_store %arg1[%swap3A_414, %swap3A_415], %dot_general3A_413 {strides = array<i32>} : memref<10000x128xf32, #tpu.memory_space<vmem>>, vector<128x128xf32>,
    %slice3A_417 = vector.extract_strided_slice %div3A_12 {offsets = [45, 0], sizes = [1, 128], strides = [1, 1]} : vector<80x128xf32> to vector<1x128xf32>
    %mul3A_418 = vector.broadcast %slice3A_417 : vector<1x128xf32> to vector<128x128xf32>
    %mul3A_419 = arith.mulf %convert_element_type3A_14, %mul3A_418 : vector<128x128xf32>
    %slice3A_420 = vector.extract_strided_slice %add3A {offsets = [5760, 0], sizes = [128, 128], strides = [1, 1]} : vector<10240x128xf32> to vector<128x128xf32>
    %dot_general3A_421 = arith.constant dense<0.000000e+00> : vector<128x128xf32>
    %dot_general3A_422 = tpu.matmul %mul3A_419, %slice3A_420, %dot_general3A_421 {dimension_numbers = #tpu.dot_dimension_numbers<[1], [0], [0], [1], [0, 0, 1, 1], [], []>, transpose_lhs_hint = false} : vector<128x128xf32>, vector<128x128xf32>, vector<128x128xf32> -> vector<128x128xf32>
    %swap3A_423 = arith.constant 5760 : index
    %swap3A_424 = arith.constant 0 : index
    %swap3A_425 = vector.load %arg1[%swap3A_423, %swap3A_424] : memref<10000x128xf32, #tpu.memory_space<vmem>>, vector<128x128xf32>
    tpu.vector_store %arg1[%swap3A_423, %swap3A_424], %dot_general3A_422 {strides = array<i32>} : memref<10000x128xf32, #tpu.memory_space<vmem>>, vector<128x128xf32>,
    %slice3A_426 = vector.extract_strided_slice %div3A_12 {offsets = [46, 0], sizes = [1, 128], strides = [1, 1]} : vector<80x128xf32> to vector<1x128xf32>
    %mul3A_427 = vector.broadcast %slice3A_426 : vector<1x128xf32> to vector<128x128xf32>
    %mul3A_428 = arith.mulf %convert_element_type3A_14, %mul3A_427 : vector<128x128xf32>
    %slice3A_429 = vector.extract_strided_slice %add3A {offsets = [5888, 0], sizes = [128, 128], strides = [1, 1]} : vector<10240x128xf32> to vector<128x128xf32>
    %dot_general3A_430 = arith.constant dense<0.000000e+00> : vector<128x128xf32>
    %dot_general3A_431 = tpu.matmul %mul3A_428, %slice3A_429, %dot_general3A_430 {dimension_numbers = #tpu.dot_dimension_numbers<[1], [0], [0], [1], [0, 0, 1, 1], [], []>, transpose_lhs_hint = false} : vector<128x128xf32>, vector<128x128xf32>, vector<128x128xf32> -> vector<128x128xf32>
    %swap3A_432 = arith.constant 5888 : index
    %swap3A_433 = arith.constant 0 : index
    %swap3A_434 = vector.load %arg1[%swap3A_432, %swap3A_433] : memref<10000x128xf32, #tpu.memory_space<vmem>>, vector<128x128xf32>
    tpu.vector_store %arg1[%swap3A_432, %swap3A_433], %dot_general3A_431 {strides = array<i32>} : memref<10000x128xf32, #tpu.memory_space<vmem>>, vector<128x128xf32>,
    %slice3A_435 = vector.extract_strided_slice %div3A_12 {offsets = [47, 0], sizes = [1, 128], strides = [1, 1]} : vector<80x128xf32> to vector<1x128xf32>
    %mul3A_436 = vector.broadcast %slice3A_435 : vector<1x128xf32> to vector<128x128xf32>
    %mul3A_437 = arith.mulf %convert_element_type3A_14, %mul3A_436 : vector<128x128xf32>
    %slice3A_438 = vector.extract_strided_slice %add3A {offsets = [6016, 0], sizes = [128, 128], strides = [1, 1]} : vector<10240x128xf32> to vector<128x128xf32>
    %dot_general3A_439 = arith.constant dense<0.000000e+00> : vector<128x128xf32>
    %dot_general3A_440 = tpu.matmul %mul3A_437, %slice3A_438, %dot_general3A_439 {dimension_numbers = #tpu.dot_dimension_numbers<[1], [0], [0], [1], [0, 0, 1, 1], [], []>, transpose_lhs_hint = false} : vector<128x128xf32>, vector<128x128xf32>, vector<128x128xf32> -> vector<128x128xf32>
    %swap3A_441 = arith.constant 6016 : index
    %swap3A_442 = arith.constant 0 : index
    %swap3A_443 = vector.load %arg1[%swap3A_441, %swap3A_442] : memref<10000x128xf32, #tpu.memory_space<vmem>>, vector<128x128xf32>
    tpu.vector_store %arg1[%swap3A_441, %swap3A_442], %dot_general3A_440 {strides = array<i32>} : memref<10000x128xf32, #tpu.memory_space<vmem>>, vector<128x128xf32>,
    %slice3A_444 = vector.extract_strided_slice %div3A_12 {offsets = [48, 0], sizes = [1, 128], strides = [1, 1]} : vector<80x128xf32> to vector<1x128xf32>
    %mul3A_445 = vector.broadcast %slice3A_444 : vector<1x128xf32> to vector<128x128xf32>
    %mul3A_446 = arith.mulf %convert_element_type3A_14, %mul3A_445 : vector<128x128xf32>
    %slice3A_447 = vector.extract_strided_slice %add3A {offsets = [6144, 0], sizes = [128, 128], strides = [1, 1]} : vector<10240x128xf32> to vector<128x128xf32>
    %dot_general3A_448 = arith.constant dense<0.000000e+00> : vector<128x128xf32>
    %dot_general3A_449 = tpu.matmul %mul3A_446, %slice3A_447, %dot_general3A_448 {dimension_numbers = #tpu.dot_dimension_numbers<[1], [0], [0], [1], [0, 0, 1, 1], [], []>, transpose_lhs_hint = false} : vector<128x128xf32>, vector<128x128xf32>, vector<128x128xf32> -> vector<128x128xf32>
    %swap3A_450 = arith.constant 6144 : index
    %swap3A_451 = arith.constant 0 : index
    %swap3A_452 = vector.load %arg1[%swap3A_450, %swap3A_451] : memref<10000x128xf32, #tpu.memory_space<vmem>>, vector<128x128xf32>
    tpu.vector_store %arg1[%swap3A_450, %swap3A_451], %dot_general3A_449 {strides = array<i32>} : memref<10000x128xf32, #tpu.memory_space<vmem>>, vector<128x128xf32>,
    %slice3A_453 = vector.extract_strided_slice %div3A_12 {offsets = [49, 0], sizes = [1, 128], strides = [1, 1]} : vector<80x128xf32> to vector<1x128xf32>
    %mul3A_454 = vector.broadcast %slice3A_453 : vector<1x128xf32> to vector<128x128xf32>
    %mul3A_455 = arith.mulf %convert_element_type3A_14, %mul3A_454 : vector<128x128xf32>
    %slice3A_456 = vector.extract_strided_slice %add3A {offsets = [6272, 0], sizes = [128, 128], strides = [1, 1]} : vector<10240x128xf32> to vector<128x128xf32>
    %dot_general3A_457 = arith.constant dense<0.000000e+00> : vector<128x128xf32>
    %dot_general3A_458 = tpu.matmul %mul3A_455, %slice3A_456, %dot_general3A_457 {dimension_numbers = #tpu.dot_dimension_numbers<[1], [0], [0], [1], [0, 0, 1, 1], [], []>, transpose_lhs_hint = false} : vector<128x128xf32>, vector<128x128xf32>, vector<128x128xf32> -> vector<128x128xf32>
    %swap3A_459 = arith.constant 6272 : index
    %swap3A_460 = arith.constant 0 : index
    %swap3A_461 = vector.load %arg1[%swap3A_459, %swap3A_460] : memref<10000x128xf32, #tpu.memory_space<vmem>>, vector<128x128xf32>
    tpu.vector_store %arg1[%swap3A_459, %swap3A_460], %dot_general3A_458 {strides = array<i32>} : memref<10000x128xf32, #tpu.memory_space<vmem>>, vector<128x128xf32>,
    %slice3A_462 = vector.extract_strided_slice %div3A_12 {offsets = [50, 0], sizes = [1, 128], strides = [1, 1]} : vector<80x128xf32> to vector<1x128xf32>
    %mul3A_463 = vector.broadcast %slice3A_462 : vector<1x128xf32> to vector<128x128xf32>
    %mul3A_464 = arith.mulf %convert_element_type3A_14, %mul3A_463 : vector<128x128xf32>
    %slice3A_465 = vector.extract_strided_slice %add3A {offsets = [6400, 0], sizes = [128, 128], strides = [1, 1]} : vector<10240x128xf32> to vector<128x128xf32>
    %dot_general3A_466 = arith.constant dense<0.000000e+00> : vector<128x128xf32>
    %dot_general3A_467 = tpu.matmul %mul3A_464, %slice3A_465, %dot_general3A_466 {dimension_numbers = #tpu.dot_dimension_numbers<[1], [0], [0], [1], [0, 0, 1, 1], [], []>, transpose_lhs_hint = false} : vector<128x128xf32>, vector<128x128xf32>, vector<128x128xf32> -> vector<128x128xf32>
    %swap3A_468 = arith.constant 6400 : index
    %swap3A_469 = arith.constant 0 : index
    %swap3A_470 = vector.load %arg1[%swap3A_468, %swap3A_469] : memref<10000x128xf32, #tpu.memory_space<vmem>>, vector<128x128xf32>
    tpu.vector_store %arg1[%swap3A_468, %swap3A_469], %dot_general3A_467 {strides = array<i32>} : memref<10000x128xf32, #tpu.memory_space<vmem>>, vector<128x128xf32>,
    %slice3A_471 = vector.extract_strided_slice %div3A_12 {offsets = [51, 0], sizes = [1, 128], strides = [1, 1]} : vector<80x128xf32> to vector<1x128xf32>
    %mul3A_472 = vector.broadcast %slice3A_471 : vector<1x128xf32> to vector<128x128xf32>
    %mul3A_473 = arith.mulf %convert_element_type3A_14, %mul3A_472 : vector<128x128xf32>
    %slice3A_474 = vector.extract_strided_slice %add3A {offsets = [6528, 0], sizes = [128, 128], strides = [1, 1]} : vector<10240x128xf32> to vector<128x128xf32>
    %dot_general3A_475 = arith.constant dense<0.000000e+00> : vector<128x128xf32>
    %dot_general3A_476 = tpu.matmul %mul3A_473, %slice3A_474, %dot_general3A_475 {dimension_numbers = #tpu.dot_dimension_numbers<[1], [0], [0], [1], [0, 0, 1, 1], [], []>, transpose_lhs_hint = false} : vector<128x128xf32>, vector<128x128xf32>, vector<128x128xf32> -> vector<128x128xf32>
    %swap3A_477 = arith.constant 6528 : index
    %swap3A_478 = arith.constant 0 : index
    %swap3A_479 = vector.load %arg1[%swap3A_477, %swap3A_478] : memref<10000x128xf32, #tpu.memory_space<vmem>>, vector<128x128xf32>
    tpu.vector_store %arg1[%swap3A_477, %swap3A_478], %dot_general3A_476 {strides = array<i32>} : memref<10000x128xf32, #tpu.memory_space<vmem>>, vector<128x128xf32>,
    %slice3A_480 = vector.extract_strided_slice %div3A_12 {offsets = [52, 0], sizes = [1, 128], strides = [1, 1]} : vector<80x128xf32> to vector<1x128xf32>
    %mul3A_481 = vector.broadcast %slice3A_480 : vector<1x128xf32> to vector<128x128xf32>
    %mul3A_482 = arith.mulf %convert_element_type3A_14, %mul3A_481 : vector<128x128xf32>
    %slice3A_483 = vector.extract_strided_slice %add3A {offsets = [6656, 0], sizes = [128, 128], strides = [1, 1]} : vector<10240x128xf32> to vector<128x128xf32>
    %dot_general3A_484 = arith.constant dense<0.000000e+00> : vector<128x128xf32>
    %dot_general3A_485 = tpu.matmul %mul3A_482, %slice3A_483, %dot_general3A_484 {dimension_numbers = #tpu.dot_dimension_numbers<[1], [0], [0], [1], [0, 0, 1, 1], [], []>, transpose_lhs_hint = false} : vector<128x128xf32>, vector<128x128xf32>, vector<128x128xf32> -> vector<128x128xf32>
    %swap3A_486 = arith.constant 6656 : index
    %swap3A_487 = arith.constant 0 : index
    %swap3A_488 = vector.load %arg1[%swap3A_486, %swap3A_487] : memref<10000x128xf32, #tpu.memory_space<vmem>>, vector<128x128xf32>
    tpu.vector_store %arg1[%swap3A_486, %swap3A_487], %dot_general3A_485 {strides = array<i32>} : memref<10000x128xf32, #tpu.memory_space<vmem>>, vector<128x128xf32>,
    %slice3A_489 = vector.extract_strided_slice %div3A_12 {offsets = [53, 0], sizes = [1, 128], strides = [1, 1]} : vector<80x128xf32> to vector<1x128xf32>
    %mul3A_490 = vector.broadcast %slice3A_489 : vector<1x128xf32> to vector<128x128xf32>
    %mul3A_491 = arith.mulf %convert_element_type3A_14, %mul3A_490 : vector<128x128xf32>
    %slice3A_492 = vector.extract_strided_slice %add3A {offsets = [6784, 0], sizes = [128, 128], strides = [1, 1]} : vector<10240x128xf32> to vector<128x128xf32>
    %dot_general3A_493 = arith.constant dense<0.000000e+00> : vector<128x128xf32>
    %dot_general3A_494 = tpu.matmul %mul3A_491, %slice3A_492, %dot_general3A_493 {dimension_numbers = #tpu.dot_dimension_numbers<[1], [0], [0], [1], [0, 0, 1, 1], [], []>, transpose_lhs_hint = false} : vector<128x128xf32>, vector<128x128xf32>, vector<128x128xf32> -> vector<128x128xf32>
    %swap3A_495 = arith.constant 6784 : index
    %swap3A_496 = arith.constant 0 : index
    %swap3A_497 = vector.load %arg1[%swap3A_495, %swap3A_496] : memref<10000x128xf32, #tpu.memory_space<vmem>>, vector<128x128xf32>
    tpu.vector_store %arg1[%swap3A_495, %swap3A_496], %dot_general3A_494 {strides = array<i32>} : memref<10000x128xf32, #tpu.memory_space<vmem>>, vector<128x128xf32>,
    %slice3A_498 = vector.extract_strided_slice %div3A_12 {offsets = [54, 0], sizes = [1, 128], strides = [1, 1]} : vector<80x128xf32> to vector<1x128xf32>
    %mul3A_499 = vector.broadcast %slice3A_498 : vector<1x128xf32> to vector<128x128xf32>
    %mul3A_500 = arith.mulf %convert_element_type3A_14, %mul3A_499 : vector<128x128xf32>
    %slice3A_501 = vector.extract_strided_slice %add3A {offsets = [6912, 0], sizes = [128, 128], strides = [1, 1]} : vector<10240x128xf32> to vector<128x128xf32>
    %dot_general3A_502 = arith.constant dense<0.000000e+00> : vector<128x128xf32>
    %dot_general3A_503 = tpu.matmul %mul3A_500, %slice3A_501, %dot_general3A_502 {dimension_numbers = #tpu.dot_dimension_numbers<[1], [0], [0], [1], [0, 0, 1, 1], [], []>, transpose_lhs_hint = false} : vector<128x128xf32>, vector<128x128xf32>, vector<128x128xf32> -> vector<128x128xf32>
    %swap3A_504 = arith.constant 6912 : index
    %swap3A_505 = arith.constant 0 : index
    %swap3A_506 = vector.load %arg1[%swap3A_504, %swap3A_505] : memref<10000x128xf32, #tpu.memory_space<vmem>>, vector<128x128xf32>
    tpu.vector_store %arg1[%swap3A_504, %swap3A_505], %dot_general3A_503 {strides = array<i32>} : memref<10000x128xf32, #tpu.memory_space<vmem>>, vector<128x128xf32>,
    %slice3A_507 = vector.extract_strided_slice %div3A_12 {offsets = [55, 0], sizes = [1, 128], strides = [1, 1]} : vector<80x128xf32> to vector<1x128xf32>
    %mul3A_508 = vector.broadcast %slice3A_507 : vector<1x128xf32> to vector<128x128xf32>
    %mul3A_509 = arith.mulf %convert_element_type3A_14, %mul3A_508 : vector<128x128xf32>
    %slice3A_510 = vector.extract_strided_slice %add3A {offsets = [7040, 0], sizes = [128, 128], strides = [1, 1]} : vector<10240x128xf32> to vector<128x128xf32>
    %dot_general3A_511 = arith.constant dense<0.000000e+00> : vector<128x128xf32>
    %dot_general3A_512 = tpu.matmul %mul3A_509, %slice3A_510, %dot_general3A_511 {dimension_numbers = #tpu.dot_dimension_numbers<[1], [0], [0], [1], [0, 0, 1, 1], [], []>, transpose_lhs_hint = false} : vector<128x128xf32>, vector<128x128xf32>, vector<128x128xf32> -> vector<128x128xf32>
    %swap3A_513 = arith.constant 7040 : index
    %swap3A_514 = arith.constant 0 : index
    %swap3A_515 = vector.load %arg1[%swap3A_513, %swap3A_514] : memref<10000x128xf32, #tpu.memory_space<vmem>>, vector<128x128xf32>
    tpu.vector_store %arg1[%swap3A_513, %swap3A_514], %dot_general3A_512 {strides = array<i32>} : memref<10000x128xf32, #tpu.memory_space<vmem>>, vector<128x128xf32>,
    %slice3A_516 = vector.extract_strided_slice %div3A_12 {offsets = [56, 0], sizes = [1, 128], strides = [1, 1]} : vector<80x128xf32> to vector<1x128xf32>
    %mul3A_517 = vector.broadcast %slice3A_516 : vector<1x128xf32> to vector<128x128xf32>
    %mul3A_518 = arith.mulf %convert_element_type3A_14, %mul3A_517 : vector<128x128xf32>
    %slice3A_519 = vector.extract_strided_slice %add3A {offsets = [7168, 0], sizes = [128, 128], strides = [1, 1]} : vector<10240x128xf32> to vector<128x128xf32>
    %dot_general3A_520 = arith.constant dense<0.000000e+00> : vector<128x128xf32>
    %dot_general3A_521 = tpu.matmul %mul3A_518, %slice3A_519, %dot_general3A_520 {dimension_numbers = #tpu.dot_dimension_numbers<[1], [0], [0], [1], [0, 0, 1, 1], [], []>, transpose_lhs_hint = false} : vector<128x128xf32>, vector<128x128xf32>, vector<128x128xf32> -> vector<128x128xf32>
    %swap3A_522 = arith.constant 7168 : index
    %swap3A_523 = arith.constant 0 : index
    %swap3A_524 = vector.load %arg1[%swap3A_522, %swap3A_523] : memref<10000x128xf32, #tpu.memory_space<vmem>>, vector<128x128xf32>
    tpu.vector_store %arg1[%swap3A_522, %swap3A_523], %dot_general3A_521 {strides = array<i32>} : memref<10000x128xf32, #tpu.memory_space<vmem>>, vector<128x128xf32>,
    %slice3A_525 = vector.extract_strided_slice %div3A_12 {offsets = [57, 0], sizes = [1, 128], strides = [1, 1]} : vector<80x128xf32> to vector<1x128xf32>
    %mul3A_526 = vector.broadcast %slice3A_525 : vector<1x128xf32> to vector<128x128xf32>
    %mul3A_527 = arith.mulf %convert_element_type3A_14, %mul3A_526 : vector<128x128xf32>
    %slice3A_528 = vector.extract_strided_slice %add3A {offsets = [7296, 0], sizes = [128, 128], strides = [1, 1]} : vector<10240x128xf32> to vector<128x128xf32>
    %dot_general3A_529 = arith.constant dense<0.000000e+00> : vector<128x128xf32>
    %dot_general3A_530 = tpu.matmul %mul3A_527, %slice3A_528, %dot_general3A_529 {dimension_numbers = #tpu.dot_dimension_numbers<[1], [0], [0], [1], [0, 0, 1, 1], [], []>, transpose_lhs_hint = false} : vector<128x128xf32>, vector<128x128xf32>, vector<128x128xf32> -> vector<128x128xf32>
    %swap3A_531 = arith.constant 7296 : index
    %swap3A_532 = arith.constant 0 : index
    %swap3A_533 = vector.load %arg1[%swap3A_531, %swap3A_532] : memref<10000x128xf32, #tpu.memory_space<vmem>>, vector<128x128xf32>
    tpu.vector_store %arg1[%swap3A_531, %swap3A_532], %dot_general3A_530 {strides = array<i32>} : memref<10000x128xf32, #tpu.memory_space<vmem>>, vector<128x128xf32>,
    %slice3A_534 = vector.extract_strided_slice %div3A_12 {offsets = [58, 0], sizes = [1, 128], strides = [1, 1]} : vector<80x128xf32> to vector<1x128xf32>
    %mul3A_535 = vector.broadcast %slice3A_534 : vector<1x128xf32> to vector<128x128xf32>
    %mul3A_536 = arith.mulf %convert_element_type3A_14, %mul3A_535 : vector<128x128xf32>
    %slice3A_537 = vector.extract_strided_slice %add3A {offsets = [7424, 0], sizes = [128, 128], strides = [1, 1]} : vector<10240x128xf32> to vector<128x128xf32>
    %dot_general3A_538 = arith.constant dense<0.000000e+00> : vector<128x128xf32>
    %dot_general3A_539 = tpu.matmul %mul3A_536, %slice3A_537, %dot_general3A_538 {dimension_numbers = #tpu.dot_dimension_numbers<[1], [0], [0], [1], [0, 0, 1, 1], [], []>, transpose_lhs_hint = false} : vector<128x128xf32>, vector<128x128xf32>, vector<128x128xf32> -> vector<128x128xf32>
    %swap3A_540 = arith.constant 7424 : index
    %swap3A_541 = arith.constant 0 : index
    %swap3A_542 = vector.load %arg1[%swap3A_540, %swap3A_541] : memref<10000x128xf32, #tpu.memory_space<vmem>>, vector<128x128xf32>
    tpu.vector_store %arg1[%swap3A_540, %swap3A_541], %dot_general3A_539 {strides = array<i32>} : memref<10000x128xf32, #tpu.memory_space<vmem>>, vector<128x128xf32>,
    %slice3A_543 = vector.extract_strided_slice %div3A_12 {offsets = [59, 0], sizes = [1, 128], strides = [1, 1]} : vector<80x128xf32> to vector<1x128xf32>
    %mul3A_544 = vector.broadcast %slice3A_543 : vector<1x128xf32> to vector<128x128xf32>
    %mul3A_545 = arith.mulf %convert_element_type3A_14, %mul3A_544 : vector<128x128xf32>
    %slice3A_546 = vector.extract_strided_slice %add3A {offsets = [7552, 0], sizes = [128, 128], strides = [1, 1]} : vector<10240x128xf32> to vector<128x128xf32>
    %dot_general3A_547 = arith.constant dense<0.000000e+00> : vector<128x128xf32>
    %dot_general3A_548 = tpu.matmul %mul3A_545, %slice3A_546, %dot_general3A_547 {dimension_numbers = #tpu.dot_dimension_numbers<[1], [0], [0], [1], [0, 0, 1, 1], [], []>, transpose_lhs_hint = false} : vector<128x128xf32>, vector<128x128xf32>, vector<128x128xf32> -> vector<128x128xf32>
    %swap3A_549 = arith.constant 7552 : index
    %swap3A_550 = arith.constant 0 : index
    %swap3A_551 = vector.load %arg1[%swap3A_549, %swap3A_550] : memref<10000x128xf32, #tpu.memory_space<vmem>>, vector<128x128xf32>
    tpu.vector_store %arg1[%swap3A_549, %swap3A_550], %dot_general3A_548 {strides = array<i32>} : memref<10000x128xf32, #tpu.memory_space<vmem>>, vector<128x128xf32>,
    %slice3A_552 = vector.extract_strided_slice %div3A_12 {offsets = [60, 0], sizes = [1, 128], strides = [1, 1]} : vector<80x128xf32> to vector<1x128xf32>
    %mul3A_553 = vector.broadcast %slice3A_552 : vector<1x128xf32> to vector<128x128xf32>
    %mul3A_554 = arith.mulf %convert_element_type3A_14, %mul3A_553 : vector<128x128xf32>
    %slice3A_555 = vector.extract_strided_slice %add3A {offsets = [7680, 0], sizes = [128, 128], strides = [1, 1]} : vector<10240x128xf32> to vector<128x128xf32>
    %dot_general3A_556 = arith.constant dense<0.000000e+00> : vector<128x128xf32>
    %dot_general3A_557 = tpu.matmul %mul3A_554, %slice3A_555, %dot_general3A_556 {dimension_numbers = #tpu.dot_dimension_numbers<[1], [0], [0], [1], [0, 0, 1, 1], [], []>, transpose_lhs_hint = false} : vector<128x128xf32>, vector<128x128xf32>, vector<128x128xf32> -> vector<128x128xf32>
    %swap3A_558 = arith.constant 7680 : index
    %swap3A_559 = arith.constant 0 : index
    %swap3A_560 = vector.load %arg1[%swap3A_558, %swap3A_559] : memref<10000x128xf32, #tpu.memory_space<vmem>>, vector<128x128xf32>
    tpu.vector_store %arg1[%swap3A_558, %swap3A_559], %dot_general3A_557 {strides = array<i32>} : memref<10000x128xf32, #tpu.memory_space<vmem>>, vector<128x128xf32>,
    %slice3A_561 = vector.extract_strided_slice %div3A_12 {offsets = [61, 0], sizes = [1, 128], strides = [1, 1]} : vector<80x128xf32> to vector<1x128xf32>
    %mul3A_562 = vector.broadcast %slice3A_561 : vector<1x128xf32> to vector<128x128xf32>
    %mul3A_563 = arith.mulf %convert_element_type3A_14, %mul3A_562 : vector<128x128xf32>
    %slice3A_564 = vector.extract_strided_slice %add3A {offsets = [7808, 0], sizes = [128, 128], strides = [1, 1]} : vector<10240x128xf32> to vector<128x128xf32>
    %dot_general3A_565 = arith.constant dense<0.000000e+00> : vector<128x128xf32>
    %dot_general3A_566 = tpu.matmul %mul3A_563, %slice3A_564, %dot_general3A_565 {dimension_numbers = #tpu.dot_dimension_numbers<[1], [0], [0], [1], [0, 0, 1, 1], [], []>, transpose_lhs_hint = false} : vector<128x128xf32>, vector<128x128xf32>, vector<128x128xf32> -> vector<128x128xf32>
    %swap3A_567 = arith.constant 7808 : index
    %swap3A_568 = arith.constant 0 : index
    %swap3A_569 = vector.load %arg1[%swap3A_567, %swap3A_568] : memref<10000x128xf32, #tpu.memory_space<vmem>>, vector<128x128xf32>
    tpu.vector_store %arg1[%swap3A_567, %swap3A_568], %dot_general3A_566 {strides = array<i32>} : memref<10000x128xf32, #tpu.memory_space<vmem>>, vector<128x128xf32>,
    %slice3A_570 = vector.extract_strided_slice %div3A_12 {offsets = [62, 0], sizes = [1, 128], strides = [1, 1]} : vector<80x128xf32> to vector<1x128xf32>
    %mul3A_571 = vector.broadcast %slice3A_570 : vector<1x128xf32> to vector<128x128xf32>
    %mul3A_572 = arith.mulf %convert_element_type3A_14, %mul3A_571 : vector<128x128xf32>
    %slice3A_573 = vector.extract_strided_slice %add3A {offsets = [7936, 0], sizes = [128, 128], strides = [1, 1]} : vector<10240x128xf32> to vector<128x128xf32>
    %dot_general3A_574 = arith.constant dense<0.000000e+00> : vector<128x128xf32>
    %dot_general3A_575 = tpu.matmul %mul3A_572, %slice3A_573, %dot_general3A_574 {dimension_numbers = #tpu.dot_dimension_numbers<[1], [0], [0], [1], [0, 0, 1, 1], [], []>, transpose_lhs_hint = false} : vector<128x128xf32>, vector<128x128xf32>, vector<128x128xf32> -> vector<128x128xf32>
    %swap3A_576 = arith.constant 7936 : index
    %swap3A_577 = arith.constant 0 : index
    %swap3A_578 = vector.load %arg1[%swap3A_576, %swap3A_577] : memref<10000x128xf32, #tpu.memory_space<vmem>>, vector<128x128xf32>
    tpu.vector_store %arg1[%swap3A_576, %swap3A_577], %dot_general3A_575 {strides = array<i32>} : memref<10000x128xf32, #tpu.memory_space<vmem>>, vector<128x128xf32>,
    %slice3A_579 = vector.extract_strided_slice %div3A_12 {offsets = [63, 0], sizes = [1, 128], strides = [1, 1]} : vector<80x128xf32> to vector<1x128xf32>
    %mul3A_580 = vector.broadcast %slice3A_579 : vector<1x128xf32> to vector<128x128xf32>
    %mul3A_581 = arith.mulf %convert_element_type3A_14, %mul3A_580 : vector<128x128xf32>
    %slice3A_582 = vector.extract_strided_slice %add3A {offsets = [8064, 0], sizes = [128, 128], strides = [1, 1]} : vector<10240x128xf32> to vector<128x128xf32>
    %dot_general3A_583 = arith.constant dense<0.000000e+00> : vector<128x128xf32>
    %dot_general3A_584 = tpu.matmul %mul3A_581, %slice3A_582, %dot_general3A_583 {dimension_numbers = #tpu.dot_dimension_numbers<[1], [0], [0], [1], [0, 0, 1, 1], [], []>, transpose_lhs_hint = false} : vector<128x128xf32>, vector<128x128xf32>, vector<128x128xf32> -> vector<128x128xf32>
    %swap3A_585 = arith.constant 8064 : index
    %swap3A_586 = arith.constant 0 : index
    %swap3A_587 = vector.load %arg1[%swap3A_585, %swap3A_586] : memref<10000x128xf32, #tpu.memory_space<vmem>>, vector<128x128xf32>
    tpu.vector_store %arg1[%swap3A_585, %swap3A_586], %dot_general3A_584 {strides = array<i32>} : memref<10000x128xf32, #tpu.memory_space<vmem>>, vector<128x128xf32>,
    %slice3A_588 = vector.extract_strided_slice %div3A_12 {offsets = [64, 0], sizes = [1, 128], strides = [1, 1]} : vector<80x128xf32> to vector<1x128xf32>
    %mul3A_589 = vector.broadcast %slice3A_588 : vector<1x128xf32> to vector<128x128xf32>
    %mul3A_590 = arith.mulf %convert_element_type3A_14, %mul3A_589 : vector<128x128xf32>
    %slice3A_591 = vector.extract_strided_slice %add3A {offsets = [8192, 0], sizes = [128, 128], strides = [1, 1]} : vector<10240x128xf32> to vector<128x128xf32>
    %dot_general3A_592 = arith.constant dense<0.000000e+00> : vector<128x128xf32>
    %dot_general3A_593 = tpu.matmul %mul3A_590, %slice3A_591, %dot_general3A_592 {dimension_numbers = #tpu.dot_dimension_numbers<[1], [0], [0], [1], [0, 0, 1, 1], [], []>, transpose_lhs_hint = false} : vector<128x128xf32>, vector<128x128xf32>, vector<128x128xf32> -> vector<128x128xf32>
    %swap3A_594 = arith.constant 8192 : index
    %swap3A_595 = arith.constant 0 : index
    %swap3A_596 = vector.load %arg1[%swap3A_594, %swap3A_595] : memref<10000x128xf32, #tpu.memory_space<vmem>>, vector<128x128xf32>
    tpu.vector_store %arg1[%swap3A_594, %swap3A_595], %dot_general3A_593 {strides = array<i32>} : memref<10000x128xf32, #tpu.memory_space<vmem>>, vector<128x128xf32>,
    %slice3A_597 = vector.extract_strided_slice %div3A_12 {offsets = [65, 0], sizes = [1, 128], strides = [1, 1]} : vector<80x128xf32> to vector<1x128xf32>
    %mul3A_598 = vector.broadcast %slice3A_597 : vector<1x128xf32> to vector<128x128xf32>
    %mul3A_599 = arith.mulf %convert_element_type3A_14, %mul3A_598 : vector<128x128xf32>
    %slice3A_600 = vector.extract_strided_slice %add3A {offsets = [8320, 0], sizes = [128, 128], strides = [1, 1]} : vector<10240x128xf32> to vector<128x128xf32>
    %dot_general3A_601 = arith.constant dense<0.000000e+00> : vector<128x128xf32>
    %dot_general3A_602 = tpu.matmul %mul3A_599, %slice3A_600, %dot_general3A_601 {dimension_numbers = #tpu.dot_dimension_numbers<[1], [0], [0], [1], [0, 0, 1, 1], [], []>, transpose_lhs_hint = false} : vector<128x128xf32>, vector<128x128xf32>, vector<128x128xf32> -> vector<128x128xf32>
    %swap3A_603 = arith.constant 8320 : index
    %swap3A_604 = arith.constant 0 : index
    %swap3A_605 = vector.load %arg1[%swap3A_603, %swap3A_604] : memref<10000x128xf32, #tpu.memory_space<vmem>>, vector<128x128xf32>
    tpu.vector_store %arg1[%swap3A_603, %swap3A_604], %dot_general3A_602 {strides = array<i32>} : memref<10000x128xf32, #tpu.memory_space<vmem>>, vector<128x128xf32>,
    %slice3A_606 = vector.extract_strided_slice %div3A_12 {offsets = [66, 0], sizes = [1, 128], strides = [1, 1]} : vector<80x128xf32> to vector<1x128xf32>
    %mul3A_607 = vector.broadcast %slice3A_606 : vector<1x128xf32> to vector<128x128xf32>
    %mul3A_608 = arith.mulf %convert_element_type3A_14, %mul3A_607 : vector<128x128xf32>
    %slice3A_609 = vector.extract_strided_slice %add3A {offsets = [8448, 0], sizes = [128, 128], strides = [1, 1]} : vector<10240x128xf32> to vector<128x128xf32>
    %dot_general3A_610 = arith.constant dense<0.000000e+00> : vector<128x128xf32>
    %dot_general3A_611 = tpu.matmul %mul3A_608, %slice3A_609, %dot_general3A_610 {dimension_numbers = #tpu.dot_dimension_numbers<[1], [0], [0], [1], [0, 0, 1, 1], [], []>, transpose_lhs_hint = false} : vector<128x128xf32>, vector<128x128xf32>, vector<128x128xf32> -> vector<128x128xf32>
    %swap3A_612 = arith.constant 8448 : index
    %swap3A_613 = arith.constant 0 : index
    %swap3A_614 = vector.load %arg1[%swap3A_612, %swap3A_613] : memref<10000x128xf32, #tpu.memory_space<vmem>>, vector<128x128xf32>
    tpu.vector_store %arg1[%swap3A_612, %swap3A_613], %dot_general3A_611 {strides = array<i32>} : memref<10000x128xf32, #tpu.memory_space<vmem>>, vector<128x128xf32>,
    %slice3A_615 = vector.extract_strided_slice %div3A_12 {offsets = [67, 0], sizes = [1, 128], strides = [1, 1]} : vector<80x128xf32> to vector<1x128xf32>
    %mul3A_616 = vector.broadcast %slice3A_615 : vector<1x128xf32> to vector<128x128xf32>
    %mul3A_617 = arith.mulf %convert_element_type3A_14, %mul3A_616 : vector<128x128xf32>
    %slice3A_618 = vector.extract_strided_slice %add3A {offsets = [8576, 0], sizes = [128, 128], strides = [1, 1]} : vector<10240x128xf32> to vector<128x128xf32>
    %dot_general3A_619 = arith.constant dense<0.000000e+00> : vector<128x128xf32>
    %dot_general3A_620 = tpu.matmul %mul3A_617, %slice3A_618, %dot_general3A_619 {dimension_numbers = #tpu.dot_dimension_numbers<[1], [0], [0], [1], [0, 0, 1, 1], [], []>, transpose_lhs_hint = false} : vector<128x128xf32>, vector<128x128xf32>, vector<128x128xf32> -> vector<128x128xf32>
    %swap3A_621 = arith.constant 8576 : index
    %swap3A_622 = arith.constant 0 : index
    %swap3A_623 = vector.load %arg1[%swap3A_621, %swap3A_622] : memref<10000x128xf32, #tpu.memory_space<vmem>>, vector<128x128xf32>
    tpu.vector_store %arg1[%swap3A_621, %swap3A_622], %dot_general3A_620 {strides = array<i32>} : memref<10000x128xf32, #tpu.memory_space<vmem>>, vector<128x128xf32>,
    %slice3A_624 = vector.extract_strided_slice %div3A_12 {offsets = [68, 0], sizes = [1, 128], strides = [1, 1]} : vector<80x128xf32> to vector<1x128xf32>
    %mul3A_625 = vector.broadcast %slice3A_624 : vector<1x128xf32> to vector<128x128xf32>
    %mul3A_626 = arith.mulf %convert_element_type3A_14, %mul3A_625 : vector<128x128xf32>
    %slice3A_627 = vector.extract_strided_slice %add3A {offsets = [8704, 0], sizes = [128, 128], strides = [1, 1]} : vector<10240x128xf32> to vector<128x128xf32>
    %dot_general3A_628 = arith.constant dense<0.000000e+00> : vector<128x128xf32>
    %dot_general3A_629 = tpu.matmul %mul3A_626, %slice3A_627, %dot_general3A_628 {dimension_numbers = #tpu.dot_dimension_numbers<[1], [0], [0], [1], [0, 0, 1, 1], [], []>, transpose_lhs_hint = false} : vector<128x128xf32>, vector<128x128xf32>, vector<128x128xf32> -> vector<128x128xf32>
    %swap3A_630 = arith.constant 8704 : index
    %swap3A_631 = arith.constant 0 : index
    %swap3A_632 = vector.load %arg1[%swap3A_630, %swap3A_631] : memref<10000x128xf32, #tpu.memory_space<vmem>>, vector<128x128xf32>
    tpu.vector_store %arg1[%swap3A_630, %swap3A_631], %dot_general3A_629 {strides = array<i32>} : memref<10000x128xf32, #tpu.memory_space<vmem>>, vector<128x128xf32>,
    %slice3A_633 = vector.extract_strided_slice %div3A_12 {offsets = [69, 0], sizes = [1, 128], strides = [1, 1]} : vector<80x128xf32> to vector<1x128xf32>
    %mul3A_634 = vector.broadcast %slice3A_633 : vector<1x128xf32> to vector<128x128xf32>
    %mul3A_635 = arith.mulf %convert_element_type3A_14, %mul3A_634 : vector<128x128xf32>
    %slice3A_636 = vector.extract_strided_slice %add3A {offsets = [8832, 0], sizes = [128, 128], strides = [1, 1]} : vector<10240x128xf32> to vector<128x128xf32>
    %dot_general3A_637 = arith.constant dense<0.000000e+00> : vector<128x128xf32>
    %dot_general3A_638 = tpu.matmul %mul3A_635, %slice3A_636, %dot_general3A_637 {dimension_numbers = #tpu.dot_dimension_numbers<[1], [0], [0], [1], [0, 0, 1, 1], [], []>, transpose_lhs_hint = false} : vector<128x128xf32>, vector<128x128xf32>, vector<128x128xf32> -> vector<128x128xf32>
    %swap3A_639 = arith.constant 8832 : index
    %swap3A_640 = arith.constant 0 : index
    %swap3A_641 = vector.load %arg1[%swap3A_639, %swap3A_640] : memref<10000x128xf32, #tpu.memory_space<vmem>>, vector<128x128xf32>
    tpu.vector_store %arg1[%swap3A_639, %swap3A_640], %dot_general3A_638 {strides = array<i32>} : memref<10000x128xf32, #tpu.memory_space<vmem>>, vector<128x128xf32>,
    %slice3A_642 = vector.extract_strided_slice %div3A_12 {offsets = [70, 0], sizes = [1, 128], strides = [1, 1]} : vector<80x128xf32> to vector<1x128xf32>
    %mul3A_643 = vector.broadcast %slice3A_642 : vector<1x128xf32> to vector<128x128xf32>
    %mul3A_644 = arith.mulf %convert_element_type3A_14, %mul3A_643 : vector<128x128xf32>
    %slice3A_645 = vector.extract_strided_slice %add3A {offsets = [8960, 0], sizes = [128, 128], strides = [1, 1]} : vector<10240x128xf32> to vector<128x128xf32>
    %dot_general3A_646 = arith.constant dense<0.000000e+00> : vector<128x128xf32>
    %dot_general3A_647 = tpu.matmul %mul3A_644, %slice3A_645, %dot_general3A_646 {dimension_numbers = #tpu.dot_dimension_numbers<[1], [0], [0], [1], [0, 0, 1, 1], [], []>, transpose_lhs_hint = false} : vector<128x128xf32>, vector<128x128xf32>, vector<128x128xf32> -> vector<128x128xf32>
    %swap3A_648 = arith.constant 8960 : index
    %swap3A_649 = arith.constant 0 : index
    %swap3A_650 = vector.load %arg1[%swap3A_648, %swap3A_649] : memref<10000x128xf32, #tpu.memory_space<vmem>>, vector<128x128xf32>
    tpu.vector_store %arg1[%swap3A_648, %swap3A_649], %dot_general3A_647 {strides = array<i32>} : memref<10000x128xf32, #tpu.memory_space<vmem>>, vector<128x128xf32>,
    %slice3A_651 = vector.extract_strided_slice %div3A_12 {offsets = [71, 0], sizes = [1, 128], strides = [1, 1]} : vector<80x128xf32> to vector<1x128xf32>
    %mul3A_652 = vector.broadcast %slice3A_651 : vector<1x128xf32> to vector<128x128xf32>
    %mul3A_653 = arith.mulf %convert_element_type3A_14, %mul3A_652 : vector<128x128xf32>
    %slice3A_654 = vector.extract_strided_slice %add3A {offsets = [9088, 0], sizes = [128, 128], strides = [1, 1]} : vector<10240x128xf32> to vector<128x128xf32>
    %dot_general3A_655 = arith.constant dense<0.000000e+00> : vector<128x128xf32>
    %dot_general3A_656 = tpu.matmul %mul3A_653, %slice3A_654, %dot_general3A_655 {dimension_numbers = #tpu.dot_dimension_numbers<[1], [0], [0], [1], [0, 0, 1, 1], [], []>, transpose_lhs_hint = false} : vector<128x128xf32>, vector<128x128xf32>, vector<128x128xf32> -> vector<128x128xf32>
    %swap3A_657 = arith.constant 9088 : index
    %swap3A_658 = arith.constant 0 : index
    %swap3A_659 = vector.load %arg1[%swap3A_657, %swap3A_658] : memref<10000x128xf32, #tpu.memory_space<vmem>>, vector<128x128xf32>
    tpu.vector_store %arg1[%swap3A_657, %swap3A_658], %dot_general3A_656 {strides = array<i32>} : memref<10000x128xf32, #tpu.memory_space<vmem>>, vector<128x128xf32>,
    %slice3A_660 = vector.extract_strided_slice %div3A_12 {offsets = [72, 0], sizes = [1, 128], strides = [1, 1]} : vector<80x128xf32> to vector<1x128xf32>
    %mul3A_661 = vector.broadcast %slice3A_660 : vector<1x128xf32> to vector<128x128xf32>
    %mul3A_662 = arith.mulf %convert_element_type3A_14, %mul3A_661 : vector<128x128xf32>
    %slice3A_663 = vector.extract_strided_slice %add3A {offsets = [9216, 0], sizes = [128, 128], strides = [1, 1]} : vector<10240x128xf32> to vector<128x128xf32>
    %dot_general3A_664 = arith.constant dense<0.000000e+00> : vector<128x128xf32>
    %dot_general3A_665 = tpu.matmul %mul3A_662, %slice3A_663, %dot_general3A_664 {dimension_numbers = #tpu.dot_dimension_numbers<[1], [0], [0], [1], [0, 0, 1, 1], [], []>, transpose_lhs_hint = false} : vector<128x128xf32>, vector<128x128xf32>, vector<128x128xf32> -> vector<128x128xf32>
    %swap3A_666 = arith.constant 9216 : index
    %swap3A_667 = arith.constant 0 : index
    %swap3A_668 = vector.load %arg1[%swap3A_666, %swap3A_667] : memref<10000x128xf32, #tpu.memory_space<vmem>>, vector<128x128xf32>
    tpu.vector_store %arg1[%swap3A_666, %swap3A_667], %dot_general3A_665 {strides = array<i32>} : memref<10000x128xf32, #tpu.memory_space<vmem>>, vector<128x128xf32>,
    %slice3A_669 = vector.extract_strided_slice %div3A_12 {offsets = [73, 0], sizes = [1, 128], strides = [1, 1]} : vector<80x128xf32> to vector<1x128xf32>
    %mul3A_670 = vector.broadcast %slice3A_669 : vector<1x128xf32> to vector<128x128xf32>
    %mul3A_671 = arith.mulf %convert_element_type3A_14, %mul3A_670 : vector<128x128xf32>
    %slice3A_672 = vector.extract_strided_slice %add3A {offsets = [9344, 0], sizes = [128, 128], strides = [1, 1]} : vector<10240x128xf32> to vector<128x128xf32>
    %dot_general3A_673 = arith.constant dense<0.000000e+00> : vector<128x128xf32>
    %dot_general3A_674 = tpu.matmul %mul3A_671, %slice3A_672, %dot_general3A_673 {dimension_numbers = #tpu.dot_dimension_numbers<[1], [0], [0], [1], [0, 0, 1, 1], [], []>, transpose_lhs_hint = false} : vector<128x128xf32>, vector<128x128xf32>, vector<128x128xf32> -> vector<128x128xf32>
    %swap3A_675 = arith.constant 9344 : index
    %swap3A_676 = arith.constant 0 : index
    %swap3A_677 = vector.load %arg1[%swap3A_675, %swap3A_676] : memref<10000x128xf32, #tpu.memory_space<vmem>>, vector<128x128xf32>
    tpu.vector_store %arg1[%swap3A_675, %swap3A_676], %dot_general3A_674 {strides = array<i32>} : memref<10000x128xf32, #tpu.memory_space<vmem>>, vector<128x128xf32>,
    %slice3A_678 = vector.extract_strided_slice %div3A_12 {offsets = [74, 0], sizes = [1, 128], strides = [1, 1]} : vector<80x128xf32> to vector<1x128xf32>
    %mul3A_679 = vector.broadcast %slice3A_678 : vector<1x128xf32> to vector<128x128xf32>
    %mul3A_680 = arith.mulf %convert_element_type3A_14, %mul3A_679 : vector<128x128xf32>
    %slice3A_681 = vector.extract_strided_slice %add3A {offsets = [9472, 0], sizes = [128, 128], strides = [1, 1]} : vector<10240x128xf32> to vector<128x128xf32>
    %dot_general3A_682 = arith.constant dense<0.000000e+00> : vector<128x128xf32>
    %dot_general3A_683 = tpu.matmul %mul3A_680, %slice3A_681, %dot_general3A_682 {dimension_numbers = #tpu.dot_dimension_numbers<[1], [0], [0], [1], [0, 0, 1, 1], [], []>, transpose_lhs_hint = false} : vector<128x128xf32>, vector<128x128xf32>, vector<128x128xf32> -> vector<128x128xf32>
    %swap3A_684 = arith.constant 9472 : index
    %swap3A_685 = arith.constant 0 : index
    %swap3A_686 = vector.load %arg1[%swap3A_684, %swap3A_685] : memref<10000x128xf32, #tpu.memory_space<vmem>>, vector<128x128xf32>
    tpu.vector_store %arg1[%swap3A_684, %swap3A_685], %dot_general3A_683 {strides = array<i32>} : memref<10000x128xf32, #tpu.memory_space<vmem>>, vector<128x128xf32>,
    %slice3A_687 = vector.extract_strided_slice %div3A_12 {offsets = [75, 0], sizes = [1, 128], strides = [1, 1]} : vector<80x128xf32> to vector<1x128xf32>
    %mul3A_688 = vector.broadcast %slice3A_687 : vector<1x128xf32> to vector<128x128xf32>
    %mul3A_689 = arith.mulf %convert_element_type3A_14, %mul3A_688 : vector<128x128xf32>
    %slice3A_690 = vector.extract_strided_slice %add3A {offsets = [9600, 0], sizes = [128, 128], strides = [1, 1]} : vector<10240x128xf32> to vector<128x128xf32>
    %dot_general3A_691 = arith.constant dense<0.000000e+00> : vector<128x128xf32>
    %dot_general3A_692 = tpu.matmul %mul3A_689, %slice3A_690, %dot_general3A_691 {dimension_numbers = #tpu.dot_dimension_numbers<[1], [0], [0], [1], [0, 0, 1, 1], [], []>, transpose_lhs_hint = false} : vector<128x128xf32>, vector<128x128xf32>, vector<128x128xf32> -> vector<128x128xf32>
    %swap3A_693 = arith.constant 9600 : index
    %swap3A_694 = arith.constant 0 : index
    %swap3A_695 = vector.load %arg1[%swap3A_693, %swap3A_694] : memref<10000x128xf32, #tpu.memory_space<vmem>>, vector<128x128xf32>
    tpu.vector_store %arg1[%swap3A_693, %swap3A_694], %dot_general3A_692 {strides = array<i32>} : memref<10000x128xf32, #tpu.memory_space<vmem>>, vector<128x128xf32>,
    %slice3A_696 = vector.extract_strided_slice %div3A_12 {offsets = [76, 0], sizes = [1, 128], strides = [1, 1]} : vector<80x128xf32> to vector<1x128xf32>
    %mul3A_697 = vector.broadcast %slice3A_696 : vector<1x128xf32> to vector<128x128xf32>
    %mul3A_698 = arith.mulf %convert_element_type3A_14, %mul3A_697 : vector<128x128xf32>
    %slice3A_699 = vector.extract_strided_slice %add3A {offsets = [9728, 0], sizes = [128, 128], strides = [1, 1]} : vector<10240x128xf32> to vector<128x128xf32>
    %dot_general3A_700 = arith.constant dense<0.000000e+00> : vector<128x128xf32>
    %dot_general3A_701 = tpu.matmul %mul3A_698, %slice3A_699, %dot_general3A_700 {dimension_numbers = #tpu.dot_dimension_numbers<[1], [0], [0], [1], [0, 0, 1, 1], [], []>, transpose_lhs_hint = false} : vector<128x128xf32>, vector<128x128xf32>, vector<128x128xf32> -> vector<128x128xf32>
    %swap3A_702 = arith.constant 9728 : index
    %swap3A_703 = arith.constant 0 : index
    %swap3A_704 = vector.load %arg1[%swap3A_702, %swap3A_703] : memref<10000x128xf32, #tpu.memory_space<vmem>>, vector<128x128xf32>
    tpu.vector_store %arg1[%swap3A_702, %swap3A_703], %dot_general3A_701 {strides = array<i32>} : memref<10000x128xf32, #tpu.memory_space<vmem>>, vector<128x128xf32>,
    %slice3A_705 = vector.extract_strided_slice %div3A_12 {offsets = [77, 0], sizes = [1, 128], strides = [1, 1]} : vector<80x128xf32> to vector<1x128xf32>
    %mul3A_706 = vector.broadcast %slice3A_705 : vector<1x128xf32> to vector<128x128xf32>
    %mul3A_707 = arith.mulf %convert_element_type3A_14, %mul3A_706 : vector<128x128xf32>
    %slice3A_708 = vector.extract_strided_slice %add3A {offsets = [9856, 0], sizes = [128, 128], strides = [1, 1]} : vector<10240x128xf32> to vector<128x128xf32>
    %dot_general3A_709 = arith.constant dense<0.000000e+00> : vector<128x128xf32>
    %dot_general3A_710 = tpu.matmul %mul3A_707, %slice3A_708, %dot_general3A_709 {dimension_numbers = #tpu.dot_dimension_numbers<[1], [0], [0], [1], [0, 0, 1, 1], [], []>, transpose_lhs_hint = false} : vector<128x128xf32>, vector<128x128xf32>, vector<128x128xf32> -> vector<128x128xf32>
    %swap3A_711 = arith.constant 9856 : index
    %swap3A_712 = arith.constant 0 : index
    %swap3A_713 = vector.load %arg1[%swap3A_711, %swap3A_712] : memref<10000x128xf32, #tpu.memory_space<vmem>>, vector<128x128xf32>
    tpu.vector_store %arg1[%swap3A_711, %swap3A_712], %dot_general3A_710 {strides = array<i32>} : memref<10000x128xf32, #tpu.memory_space<vmem>>, vector<128x128xf32>,
    %slice3A_714 = vector.extract_strided_slice %div3A_12 {offsets = [78, 0], sizes = [1, 128], strides = [1, 1]} : vector<80x128xf32> to vector<1x128xf32>
    %mul3A_715 = vector.broadcast %slice3A_714 : vector<1x128xf32> to vector<128x128xf32>
    %mul3A_716 = arith.mulf %convert_element_type3A_14, %mul3A_715 : vector<128x128xf32>
    %slice3A_717 = vector.extract_strided_slice %add3A {offsets = [9984, 0], sizes = [128, 128], strides = [1, 1]} : vector<10240x128xf32> to vector<128x128xf32>
    %dot_general3A_718 = arith.constant dense<0.000000e+00> : vector<128x128xf32>
    %dot_general3A_719 = tpu.matmul %mul3A_716, %slice3A_717, %dot_general3A_718 {dimension_numbers = #tpu.dot_dimension_numbers<[1], [0], [0], [1], [0, 0, 1, 1], [], []>, transpose_lhs_hint = false} : vector<128x128xf32>, vector<128x128xf32>, vector<128x128xf32> -> vector<128x128xf32>
    %slice3A_720 = vector.extract_strided_slice %dot_general3A_719 {offsets = [0, 0], sizes = [16, 128], strides = [1, 1]} : vector<128x128xf32> to vector<16x128xf32>
    %swap3A_721 = arith.constant 9984 : index
    %swap3A_722 = arith.constant 0 : index
    %swap3A_723 = vector.load %arg1[%swap3A_721, %swap3A_722] : memref<10000x128xf32, #tpu.memory_space<vmem>>, vector<16x128xf32>
    tpu.vector_store %arg1[%swap3A_721, %swap3A_722], %slice3A_720 {strides = array<i32>} : memref<10000x128xf32, #tpu.memory_space<vmem>>, vector<16x128xf32>,
    return
  }
}

</mosaic_0001>

<sc_bundles>
// kernel: kernel.5.cloned.1.call-start
scs
__scs_entry_jumppad:
0x0: {  	(pc) =	sbr.rel $0x88, $3  }
0x1: {  	(tag) =	ssettag $0x0;
	lr =	simm.s32 $0x1  }
0x2: {  	[smem:$0x3F9B] =	sst lr;
	_ =	strace $0xD0000000  }
0x3: {  	_ = 	snop  }
0x4: {  	_ = 	snop  }
0x5: {  	_ = 	snop  }
0x6: {  	_ = 	snop  }
0x7: {  	_ = 	snop  }
__scs_overlays_trampoline_lowered:
0x8: {  	[smem:$0x3FAA] =	sst s0  }
0x9: {  	[smem:$0x3FAB] =	sst s1  }
0xa: {  	[smem:$0x3FAC] =	sst s2  }
0xb: {  	[smem:$0x3FAD] =	sst s3  }
0xc: {  	[smem:$0x3FAE] =	sst s4  }
0xd: {  	[smem:$0x3FAF] =	sst s5  }
0xe: {  	[smem:$0x3FB0] =	sst s6  }
0xf: {  	[smem:$0x3FB1] =	sst s7  }
0x10: {  	[smem:$0x3FB2] =	sst s8  }
0x11: {  	[smem:$0x3FB3] =	sst s9;
	s0 =	simm.s32 @!p0 $0x0  }
0x12: {  	s1 =	sld [smem:$0x3F99];
	s0 =	simm.s32 @p0 $0x1  }
0x13: {  	[smem:$0x3FB4] =	sst s0;
	s0 =	simm.s32 @!p1 $0x0  }
0x14: {  	s2 =	sld [smem:$0x3F98];
	s0 =	simm.s32 @p1 $0x1  }
0x15: {  	[smem:$0x3FB5] =	sst s0;
	s0 =	simm.s32 @!p2 $0x0  }
0x16: {  	s3 =	sld [smem:$0x3FDB];
	s0 =	simm.s32 @p2 $0x1  }
0x17: {  	s4 =	simm.s32 $0x1BF5;
	[smem:$0x3FB7] =	sst s0  }
0x18: {  	s0 =	sld [smem:$0x3F9A];
	_ =	swait.ge [sflag:s4], $0x0  }
0x19: {  	s7 =	sld [smem:$0x3F9B]  }
0x1a: {  	s8 =	sadd.s32 $0xFFFFE003, lr  }
0x1b: {  	s9 =	sadd.s32 $0xFFFFFEF7, lr;
	s5 =	simm.s32 $0xFFFFFFFF;
	p2 =	slt.u32 s8, $0xFFFFF086  }
0x1c: {  	p1 =	slt.u32 s9, $0xF7A;
	s5 =	simm.s32 @!p2 $0x0  }
0x1d: {  	s5 =	simm.s32 @p1 $0x1;
	p0 =	seq.s32 s7, s2  }
0x1e: {  	s7 =	smul.u32 @!p0 $0xF7A, s2;
	p2 =	seq.s32 @!p0 s5, $0x0  }
0x1f: {  	s9 =	smul.u32 $0xF7A, s1;
	s8 =	simm.s32 @!p0 $0x1BF5;
	p2 =	por !p2, p0  }
0x20: {  	[sflag:s8] =	ssyncset.s32 @!p0 $0xFFFFF086;
	s6 =	sadd.s32 @!p0 s3, s7;
	s7 =	simm.s32 @!p0 $0x108  }
0x21: {  	s3 =	sadd.s32 s3, s9;
	s6 =	sadd.s32 @!p0 $0x88, s6;
	s7 =	simm.s32 @p2 $0x1082  }
0x22: {  	[simem:s7], [sflag:s8] =	dma.local @!p0 [hbm:s6], $0xF7A  }
0x23: {  	s9 =	sor.u32 $0xD0000000, s2;
	s6 =	simm.s32 $0x108;
	_ =	swait.ge @!p0 [sflag:s8], $0x0  }
0x24: {  	s3 =	sadd.s32 $0x88, s3;
	s6 =	simm.s32 @!p1 $0x1082;
	[sflag:s4] =	ssyncset.s32 $0xFFFFF086  }
0x25: {  	[simem:s6], [sflag:s4] =	dma.local [hbm:s3], $0xF7A  }
0x26: {  	[smem:$0x3F9B] =	sst s1;
	(tag) =	ssettag s2;
	_ =	strace s9  }
0x27: {  	s1 =	sld [smem:$0x3FAB]  }
0x28: {  	s2 =	sld [smem:$0x3FAC]  }
0x29: {  	s4 =	sld [smem:$0x3FAE]  }
0x2a: {  	p0 =	seq.s32 s5, $0x0;
	s5 =	sld [smem:$0x3FAF]  }
0x2b: {  	s6 =	sld [smem:$0x3FB0]  }
0x2c: {  	s7 =	sld [smem:$0x3FB1]  }
0x2d: {  	s3 =	simm.s32 $0x108;
	s8 =	sld [smem:$0x3FB2]  }
0x2e: {  	s3 =	simm.s32 @!p0 $0x1082;
	s9 =	sld [smem:$0x3FB3]  }
0x2f: {  	lr =	sadd.s32 s0, s3;
	s0 =	sld [smem:$0x3FAA]  }
0x30: {  	s3 =	sld [smem:$0x3FAD]  }
0x31: {  	[smem:$0x3FB6] =	sst s10  }
0x32: {  	s10 =	sld [smem:$0x3FB4];
	_ =	sdelay $0x3  }
0x33: {  	p0 =	seq.s32 s10, $0x1;
	s10 =	sld [smem:$0x3FB6];
	_ =	sdelay $0x3  }
0x34: {  	[smem:$0x3FB6] =	sst s10  }
0x35: {  	s10 =	sld [smem:$0x3FB5];
	_ =	sdelay $0x3  }
0x36: {  	p1 =	seq.s32 s10, $0x1;
	s10 =	sld [smem:$0x3FB6];
	_ =	sdelay $0x3  }
0x37: {  	[smem:$0x3FB6] =	sst s10  }
0x38: {  	s10 =	sld [smem:$0x3FB7]  }
0x39: {  	_ = 	snop;
	(pc) =	sbr.ind lr, $3  }
0x3a: {  	_ = 	snop  }
0x3b: {  	_ = 	snop  }
0x3c: {  	p2 =	seq.s32 s10, $0x1;
	s10 =	sld [smem:$0x3FB6]  }
0x3d: {  	_ =	shalt  }
0x3e: {  	_ =	shalt  }
0x3f: {  	_ =	shalt  }
0x40: {  	_ =	shalt  }
0x41: {  	_ =	shalt  }
0x42: {  	_ =	shalt  }
0x43: {  	_ =	shalt  }
0x44: {  	_ =	shalt  }
0x45: {  	_ =	shalt  }
0x46: {  	_ =	shalt  }
0x47: {  	_ =	shalt  }
0x48: {  	_ =	shalt  }
0x49: {  	_ =	shalt  }
0x4a: {  	_ =	shalt  }
0x4b: {  	_ =	shalt  }
0x4c: {  	_ =	shalt  }
0x4d: {  	_ =	shalt  }
0x4e: {  	_ =	shalt  }
0x4f: {  	_ =	shalt  }
0x50: {  	_ =	shalt  }
0x51: {  	_ =	shalt  }
0x52: {  	_ =	shalt  }
0x53: {  	_ =	shalt  }
0x54: {  	_ =	shalt  }
0x55: {  	_ =	shalt  }
0x56: {  	_ =	shalt  }
0x57: {  	_ =	shalt  }
0x58: {  	_ =	shalt  }
0x59: {  	_ =	shalt  }
0x5a: {  	_ =	shalt  }
0x5b: {  	_ =	shalt  }
0x5c: {  	_ =	shalt  }
0x5d: {  	_ =	shalt  }
0x5e: {  	_ =	shalt  }
0x5f: {  	_ =	shalt  }
0x60: {  	_ =	shalt  }
0x61: {  	_ =	shalt  }
0x62: {  	_ =	shalt  }
0x63: {  	_ =	shalt  }
0x64: {  	_ =	shalt  }
0x65: {  	_ =	shalt  }
0x66: {  	_ =	shalt  }
0x67: {  	_ =	shalt  }
0x68: {  	_ =	shalt  }
0x69: {  	_ =	shalt  }
0x6a: {  	_ =	shalt  }
0x6b: {  	_ =	shalt  }
0x6c: {  	_ =	shalt  }
0x6d: {  	_ =	shalt  }
0x6e: {  	_ =	shalt  }
0x6f: {  	_ =	shalt  }
0x70: {  	_ =	shalt  }
0x71: {  	_ =	shalt  }
0x72: {  	_ =	shalt  }
0x73: {  	_ =	shalt  }
0x74: {  	_ =	shalt  }
0x75: {  	_ =	shalt  }
0x76: {  	_ =	shalt  }
0x77: {  	_ =	shalt  }
0x78: {  	_ =	shalt  }
0x79: {  	_ =	shalt  }
0x7a: {  	_ =	shalt  }
0x7b: {  	_ =	shalt  }
0x7c: {  	_ =	shalt  }
0x7d: {  	_ =	shalt  }
0x7e: {  	_ =	shalt  }
0x7f: {  	_ =	shalt  }
0x80: {  	_ =	shalt  }
0x81: {  	_ =	shalt  }
0x82: {  	_ =	shalt  }
0x83: {  	_ =	shalt  }
0x84: {  	_ =	shalt  }
0x85: {  	_ =	shalt  }
0x86: {  	_ =	shalt  }
0x87: {  	_ =	shalt  }
.Lfunc_end0:
.L_simem_size_0:
called_computation_lowered:
.L_overlay_start_0:
0x88: {  	s2 =	sld [smem:$0x3FD9]  }
0x89: {  	s3 =	sld [smem:$0x3FFE];
	_ =	sdelay $0x1  }
0x8a: {  	s1 =	srdreg.scid  }
0x8b: {  	s0 =	sand.u32 $0x1, s1  }
0x8c: {  	s17 =	sshll.u32 s0, $0xA;
	s2 =	sadd.s32 s3, s2  }
0x8d: {  	s2 =	sadd.s32 s2, s17  }
0x8e: {  	[smem:$0x3FC2] =	sst s2  }
0x8f: {  	_ = 	snop  }
0x90: {  	s2 =	sld [smem:$0x3FD0];
	(tm) =	ssettm $0x1  }
0x91: {  	s18 =	sld [smem:$0x3FFB];
	_ =	sdelay $0x3  }
0x92: {  	_ =	strace s18  }
0x93: {  	s3 =	sld [smem:$0x3FFC];
	_ =	sdelay $0x3  }
0x94: {  	_ =	strace s3  }
0x95: {  	s3 =	sld [smem:$0x3FFD];
	_ =	sdelay $0x3  }
0x96: {  	_ =	strace s3  }
0x97: {  	_ =	strace $0x8FFFFFFF  }
0x98: {  	s19 =	sld [smem:$0x3FDB];
	_ =	sdelay $0x1  }
0x99: {  	s4 =	simm.s32 $_scs_section_size  }
0x9a: {  	s5 =	simm.s32 $_size__tile_overlayer_lowered;
	s6 =	simm.s32 $_tile_overlayer_lowered  }
0x9b: {  	s22 =	simm.s32 $0x1BFF;
	s21 =	sshll.u32 s6, $0x1;
	s3 =	sadd.s32 s4, s19  }
0x9c: {  	s7 =	simm.s32 $0x0;
	s20 =	sshll.u32 s5, $0x1;
	s5 =	sadd.s32 s21, s3  }
0x9d: {  	[timem:s7], [sflag:s22] =	dma.local [hbm:s5], s20  }
0x9e: {  	_ =	swait.ge [sflag:s22], s20  }
0x9f: {  	s4 =	ssub.s32 $0x0, s20;
	[sflag:s22] =	ssyncset.done $0x0  }
0xa0: {  	[sflag:s22] =	ssyncadd.s32 s4;
	_ =	sdelay $0x1  }
0xa1: {  	s23 =	simm.s32 $0x1B8B  }
0xa2: {  	_ =	swait.ge [sflag:s23], $0x1  }
0xa3: {  	[sflag:s23] =	ssyncset.done $0x0  }
0xa4: {  	s25 =	simm.s32 $0x1B8E;
	s24 =	sld [smem:$0x3FFE];
	[sflag:s23] =	ssyncadd.s32 $0xFFFFFFFF  }
0xa5: {  	s26 =	simm.s32 $execute0_lowered;
	[smem:$0x3FD2] =	sst s25  }
0xa6: {  	s5 =	sshll.u32 s26, $0x1;
	_ =	strace $0x80000046;
	[dreg:$0x1] =	wrdreg $0xFFFFFFFF  }
0xa7: {  	s28 =	simm.s32 $_size_execute0_lowered;
	s3 =	sadd.s32 s3, s5;
	[dreg:$0x0] =	wrdreg $0x0  }
0xa8: {  	s5 =	sshll.u32 s28, $0x1;
	[dreg:$0x2] =	wrdreg s3  }
0xa9: {  	[dreg:$0x3] =	wrdreg s5  }
0xaa: {  	[dreg:$0x4] =	wrdreg $0xC0  }
0xab: {  	_ =	task [dreg:s7], $0x5FFFF  }
0xac: {  	[dreg:$0x1] =	wrdreg $0xFFFFFFFF  }
0xad: {  	[dreg:$0x0] =	wrdreg $0x60  }
0xae: {  	[dreg:$0x2] =	wrdreg s2  }
0xaf: {  	[dreg:$0x3] =	wrdreg s24  }
0xb0: {  	[dreg:$0x4] =	wrdreg $0xA2000  }
0xb1: {  	[dreg:$0x5] =	wrdreg $0x9  }
0xb2: {  	_ =	task.clear_ibuf [dreg:s7], $0x6FFFF;
	_ =	strace $0x90000046  }
0xb3: {  	s29 =	simm.s32 $0x9;
	_ =	strace $0x80000048  }
0xb4: {  	_ =	swait.ge [sflag:s29], $0x1  }
0xb5: {  	[sflag:s29] =	ssyncadd.s32 $0xFFFFFFFF  }
0xb6: {  	_ =	strace $0x90000048  }
0xb7: {  	_ =	sfence  }
0xb8: {  	s30 =	sld [smem:$0x0];
	_ =	sdelay $0x2  }
0xb9: {  	s31 =	sshll.u32 s1, $0xD;
	s1 =	sshrl.u32 s1, $0x2  }
0xba: {  	s3 =	sand.u32 $0x4000, s31;
	s1 =	sadd.s32 s1, s30  }
0xbb: {  	s0 =	sor.u32 s3, s0;
	s1 =	sshll.u32 s1, $0x11  }
0xbc: {  	s0 =	sor.u32 s1, s0  }
0xbd: {  	s0 =	sadd.s32 $0x8F2B, s0  }
0xbe: {  	[sflag:s0] =	ssyncadd.remote.s32 $0x1  }
0xbf: {  	_ =	sfence.sel $0xFFFF  }
0xc0: {  	[dreg:$0x0] =	wrdreg $0xFFFFFFFF;
	(pc) =	sbr.abs _section_cstart, $3  }
0xc1: {  	[dreg:$0x1] =	wrdreg $0xFFFFFFFF  }
0xc2: {  	_ =	task.clear_ibuf [dreg:s7], $0x2FFFF;
	_ =	strace $0x9FFFFFFF  }
0xc3: {  	(tm) =	ssettm $0x7FFFFFFF  }
tec
execute0_lowered:
.L_overlay_start_1:
0x0: {  	(tag) =	ssettag $0x1  }
0x1: {  	s1 =	rddreg [dreg:$0x0]  }
0x2: {  	s0 =	rddreg [dreg:$0x1]  }
0x3: {  	s3 =	rddreg [dreg:$0x2]  }
0x4: {  	s4 =	simm.s32 $0x0;
	s12 =	stileid.u32;
	s2 =	srdreg.scid  }
0x5: {  	s18 =	simm.s32 $0x5200;
	s19 =	simm.s32 $0x7;
	s28 =	simm.s32 $0x5  }
0x6: {  	s29 =	simm.s32 $0x6;
	s30 =	simm.s32 $0x2A00;
	s31 =	simm.s32 $0x7980  }
0x7: {  	[smem:$0x7FF] =	sst s4;
	s5 =	smul.u32 $0x2800, s12;
	s2 =	sand.u32 $0x1, s2  }
0x8: {  	s6 =	sadd.s32 $0x600, s0;
	s7 =	sadd.s32 $0xC00, s0;
	s10 =	smul.u32 $0x50000, s12  }
0x9: {  	s8 =	sadd.s32 $0xAC00, s0;
	s21 =	sshll.u32 s12, $0x1;
	s12 =	smul.u32 $0x5000, s12  }
0xa: {  	_ =	strace $0x80000047;
	[dreg:$0x4] =	wrdreg s6;
	s20 =	smul.u32 $0x28000, s2  }
0xb: {  	s22 =	ssub.s32 $0x2, s2;
	s6 =	sor.u32 s2, s21;
	s2 =	smul.u32 $0x2800, s2  }
0xc: {  	s21 =	simm.s32 $0x3;
	s9 =	sadd.s32 s5, s0;
	s11 =	sshrl.u32 s22, $0x1  }
0xd: {  	s10 =	sshrl.u32 s10, $0x2;
	s6 =	smul.u32 $0x2800, s6;
	s5 =	sadd.s32 s5, s20  }
0xe: {  	s10 =	sadd.s32 s10, s3;
	s9 =	sadd.s32 $0x14C00, s9;
	s2 =	sadd.s32 s2, s12  }
0xf: {  	s20 =	simm.s32 $0x80;
	s0 =	sadd.s32 s5, s0;
	[dreg:$0x5] =	wrdreg s10  }
0x10: {  	s5 =	ssub.s32 s22, s11;
	[dreg:$0x6] =	wrdreg s9;
	s6 =	sshrl.u32 s6, $0x3  }
0x11: {  	s26 =	sor.u32 $0xF0, s2;
	s2 =	sor.u32 $0xA0, s2;
	s22 =	simm.s32 $0x4  }
0x12: {  	s23 =	sadd.s32 s7, s6;
	s24 =	sadd.s32 s8, s6;
	s6 =	sor.u32 $0xA, s6  }
0x13: {  	s12 =	sadd.s32 $0x3CC00, s0;
	s13 =	smax.u32 s5, $0x1;
	s0 =	sshrl.u32 s26, $0x3  }
0x14: {  	s2 =	sshrl.u32 s2, $0x3;
	s26 =	simm.s32 $0x180;
	[dreg:$0x7] =	wrdreg s23  }
0x15: {  	s5 =	simm.s32 $0x0;
	[dreg:$0x8] =	wrdreg s24;
	s25 =	sadd.s32 s7, s6  }
0x16: {  	s6 =	sadd.s32 s8, s6;
	s14 =	sadd.s32 s0, s8;
	s15 =	sadd.s32 s0, s7  }
0x17: {  	v5 =	vlaneseq.u32;
	s16 =	sadd.s32 s2, s8;
	s17 =	sadd.s32 s2, s7;
	s23 =	simm.s32 $0x50  }
0x18: {  	v0 =	vimm.f32 $0.0e+00;
	v1 =	vor.u32 $0x2710, v5;
	v2 =	vor.u32 $0x2720, v5;
	s24 =	simm.s32 $0x200;
	s0 =	simm.s32 $0x1;
	[dreg:$0x9] =	wrdreg s25  }
0x19: {  	v3 =	vor.u32 $0x2730, v5;
	v4 =	vor.u32 $0x2740, v5;
	v5 =	vor.u32 $0x2750, v5;
	s2 =	simm.s32 $0x2;
	[dreg:$0xa] =	wrdreg s6;
	s25 =	simm.s32 $0x100  }
.LBB2_1:
0x1a: {  	s6 =	rddreg [dreg:$0x4]  }
0x1b: {  	[tilespmem:s18], [sflag:$0x7] =	stream.linear.gather [hbm4b:s6+s4], $0x2780, $0x38;
	[tilespmem:$0x1E200] =	vst v63  }
0x1c: {  	s11 =	sand.u32 $0xFE00, s4;
	s7 =	sand.u32 $0x70, s4;
	_ =	swait.ge [sflag:s19], $0x2780  }
0x1d: {  	s8 =	sshrl.u32 s11, $0x2;
	s6 =	simm.s32 $0x40;
	[sflag:s19] =	ssyncset.done $0x0  }
0x1e: {  	s8 =	sor.u32 s7, s8;
	s7 =	simm.s32 $0x0;
	[sflag:s19] =	ssyncadd.s32 $0xFFFFD880  }
.LBB2_2:
0x1f: {  	p0 =	sne.s32 s6, $0x9FC0  }
0x20: {  	[tilespmem:s8+$0x7980] =	vst v0;
	s7 =	sadd.s32 $0x10, s7;
	s8 =	smov.u32 s6;
	s6 =	sadd.s32 $0x40, s6  }
.Ltmp0:
0x21: {  	(pc) =	sbr.rel @p0 .LBB2_2-.Ltmp0, $4  }
0x22: {  	_ = 	snop  }
0x23: {  	s8 =	sand.u32 $0xFE00, s8  }
0x24: {  	s9 =	sand.u32 $0x70, s7;
	s8 =	sshrl.u32 s8, $0x2  }
0x25: {  	s8 =	sor.u32 s9, s8  }
0x26: {  	[tilespmem:s8+$0x7980] =	vst v0  }
0x27: {  	[tilespmem:$0xA180] =	vst v1  }
0x28: {  	[tilespmem:$0xA190] =	vst v2  }
0x29: {  	s6 =	stileid.u32;
	[tilespmem:$0xA1A0] =	vst v3  }
0x2a: {  	s7 =	rddreg [dreg:$0x5];
	[tilespmem:$0xA1B0] =	vst v4;
	s6 =	sshll.u32 s6, $0x6  }
0x2b: {  	s10 =	rddreg [dreg:$0x6];
	[tilespmem:$0xA1C0] =	vst v5;
	s7 =	sshrl.u32 s7, $0x3;
	s6 =	sor.u32 $0x1C07, s6  }
0x2c: {  	[spmem:s7], [sflag:s6] =	dma.local [hbm:s10], $0x2800  }
0x2d: {  	_ =	swait.ge [sflag:s19], $0x2800  }
0x2e: {  	[sflag:s19] =	ssyncset.done $0x0  }
0x2f: {  	[sflag:s19] =	ssyncadd.s32 $0xFFFFD800  }
0x30: {  	[bflag:$0x0] =	sbarrier.arrive $0xFFFF  }
0x31: {  	s8 =	simm.s32 $0x0;
	s9 =	rddreg [dreg:$0x7]  }
0x32: {  	[tilespmem:s8], [sflag:$0x3] =	stream.linear.gather [hbm4b:s9+s8], $0x50, $0x38;
	[tilespmem:$0x1E200] =	vst v63  }
0x33: {  	s11 =	rddreg [dreg:$0x8]  }
0x34: {  	[tilespmem:s20], [sflag:$0x4] =	stream.linear.gather [hbm4b:s11+s8], $0x50, $0x38;
	[tilespmem:$0x1E200] =	vst v63  }
0x35: {  	_ =	swait.ge [sflag:s21], $0x50  }
0x36: {  	[sflag:s21] =	ssyncset.done $0x0  }
0x37: {  	[sflag:s21] =	ssyncadd.s32 $0xFFFFFFB0  }
0x38: {  	_ =	swait.ge [sflag:s22], $0x50  }
0x39: {  	[sflag:s22] =	ssyncset.done $0x0  }
0x3a: {  	[sflag:s22] =	ssyncadd.s32 $0xFFFFFFB0  }
0x3b: {  	[tilespmem:s24], [sflag:$0x1] =	stream.indirect.gather [hbm4b:s1+s23], $0x80, s8, s23, $0xb8;
	[tilespmem:$0x1E200] =	vst v63  }
0x3c: {  	s10 =	rddreg [dreg:$0x9]  }
0x3d: {  	[tilespmem:s25], [sflag:$0x5] =	stream.linear.gather [hbm4b:s10+s8], $0x50, $0x38;
	[tilespmem:$0x1E200] =	vst v63  }
0x3e: {  	s11 =	rddreg [dreg:$0xa]  }
0x3f: {  	[tilespmem:s26], [sflag:$0x6] =	stream.linear.gather [hbm4b:s11+s8], $0x50, $0x38;
	[tilespmem:$0x1E200] =	vst v63  }
.LBB2_4:
0x40: {  	_ =	swait.ge [sflag:s28], $0x50  }
0x41: {  	[sflag:s28] =	ssyncset.done $0x0  }
0x42: {  	[sflag:s28] =	ssyncadd.s32 $0xFFFFFFB0  }
0x43: {  	_ =	swait.ge [sflag:s29], $0x50  }
0x44: {  	[sflag:s29] =	ssyncset.done $0x0  }
0x45: {  	[sflag:s29] =	ssyncadd.s32 $0xFFFFFFB0  }
0x46: {  	[tilespmem:s30], [sflag:$0x2] =	stream.indirect.gather [hbm4b:s1+s23], $0x80, s25, s23, $0xb8;
	[tilespmem:$0x1E200] =	vst v63  }
0x47: {  	v6 =	vld [tilespmem:$0x0];
	_ =	sdelay $0x4  }
0x48: {  	v7 =	vld [tilespmem:$0x80];
	_ =	sdelay $0x2  }
0x49: {  	v6 =	vld.idx.msk [tilespmem:v6+s18+$0x0], $0xffff;
	_ =	sdelay $0x4  }
0x4a: {  	[tilespmem:v7+s31+$0x0] =	vst.idx.add.f32.msk $0xffff, v6  }
0x4b: {  	v6 =	vld [tilespmem:$0x10];
	_ =	sdelay $0x4  }
0x4c: {  	v7 =	vld [tilespmem:$0x90];
	_ =	sdelay $0x2  }
0x4d: {  	v6 =	vld.idx.msk [tilespmem:v6+s18+$0x0], $0xffff;
	_ =	sdelay $0x4  }
0x4e: {  	[tilespmem:v7+s31+$0x0] =	vst.idx.add.f32.msk $0xffff, v6  }
0x4f: {  	v6 =	vld [tilespmem:$0x20];
	_ =	sdelay $0x4  }
0x50: {  	v7 =	vld [tilespmem:$0xA0];
	_ =	sdelay $0x2  }
0x51: {  	v6 =	vld.idx.msk [tilespmem:v6+s18+$0x0], $0xffff;
	_ =	sdelay $0x4  }
0x52: {  	[tilespmem:v7+s31+$0x0] =	vst.idx.add.f32.msk $0xffff, v6  }
0x53: {  	v6 =	vld [tilespmem:$0x30];
	_ =	sdelay $0x4  }
0x54: {  	v7 =	vld [tilespmem:$0xB0];
	_ =	sdelay $0x2  }
0x55: {  	v6 =	vld.idx.msk [tilespmem:v6+s18+$0x0], $0xffff;
	_ =	sdelay $0x4  }
0x56: {  	[tilespmem:v7+s31+$0x0] =	vst.idx.add.f32.msk $0xffff, v6  }
0x57: {  	v6 =	vld [tilespmem:$0x40];
	_ =	sdelay $0x4  }
0x58: {  	v7 =	vld [tilespmem:$0xC0];
	_ =	sdelay $0x2  }
0x59: {  	v6 =	vld.idx.msk [tilespmem:v6+s18+$0x0], $0xffff;
	_ =	sdelay $0x4  }
0x5a: {  	[tilespmem:v7+s31+$0x0] =	vst.idx.add.f32.msk $0xffff, v6  }
0x5b: {  	_ =	swait.ge [sflag:s0], $0x2800  }
0x5c: {  	[sflag:s0] =	ssyncset.done $0x0  }
0x5d: {  	[sflag:s0] =	ssyncadd.s32 $0xFFFFD800  }
0x5e: {  	[spmem:s3] =	stream.indirect.scatter.add.f32 [tilespmem:s24], [sflag:$0x7], $0x80, s20, s23, $0xb8;
	[tilespmem:$0x1E200] =	vst v63  }
0x5f: {  	_ =	swait.ge [sflag:s19], $0x2800  }
0x60: {  	p0 =	seq.s32 s8, $0x4EC;
	[sflag:s19] =	ssyncset.done $0x0  }
0x61: {  	s9 =	sadd.s32 @!p0 s8, s17;
	s10 =	simm.s32 @!p0 $0x0;
	[sflag:s19] =	ssyncadd.s32 $0xFFFFD800  }
0x62: {  	[tilespmem:s10], [sflag:$0x3] =	stream.linear.gather @!p0 [hbm4b:s9+s10], $0x50, $0x38;
	[tilespmem:$0x1E200] =	vst v63  }
0x63: {  	s11 =	simm.s32 @!p0 $0x80;
	s9 =	sadd.s32 @!p0 s8, s16  }
0x64: {  	[tilespmem:s11], [sflag:$0x4] =	stream.linear.gather @!p0 [hbm4b:s9+s10], $0x50, $0x38;
	[tilespmem:$0x1E200] =	vst v63  }
0x65: {  	v6 =	vld [tilespmem:$0x100];
	_ =	sdelay $0x4  }
0x66: {  	v7 =	vld [tilespmem:$0x180];
	_ =	sdelay $0x2  }
0x67: {  	v6 =	vld.idx.msk [tilespmem:v6+s18+$0x0], $0xffff;
	_ =	sdelay $0x4  }
0x68: {  	[tilespmem:v7+s31+$0x0] =	vst.idx.add.f32.msk $0xffff, v6  }
0x69: {  	v6 =	vld [tilespmem:$0x110];
	_ =	sdelay $0x4  }
0x6a: {  	v7 =	vld [tilespmem:$0x190];
	_ =	sdelay $0x2  }
0x6b: {  	v6 =	vld.idx.msk [tilespmem:v6+s18+$0x0], $0xffff;
	_ =	sdelay $0x4  }
0x6c: {  	[tilespmem:v7+s31+$0x0] =	vst.idx.add.f32.msk $0xffff, v6  }
0x6d: {  	v6 =	vld [tilespmem:$0x120];
	_ =	sdelay $0x4  }
0x6e: {  	v7 =	vld [tilespmem:$0x1A0];
	_ =	sdelay $0x2  }
0x6f: {  	v6 =	vld.idx.msk [tilespmem:v6+s18+$0x0], $0xffff;
	_ =	sdelay $0x4  }
0x70: {  	[tilespmem:v7+s31+$0x0] =	vst.idx.add.f32.msk $0xffff, v6  }
0x71: {  	v6 =	vld [tilespmem:$0x130];
	_ =	sdelay $0x4  }
0x72: {  	v7 =	vld [tilespmem:$0x1B0];
	_ =	sdelay $0x2  }
0x73: {  	v6 =	vld.idx.msk [tilespmem:v6+s18+$0x0], $0xffff;
	_ =	sdelay $0x4  }
0x74: {  	[tilespmem:v7+s31+$0x0] =	vst.idx.add.f32.msk $0xffff, v6  }
0x75: {  	v6 =	vld [tilespmem:$0x140];
	_ =	sdelay $0x4  }
0x76: {  	v7 =	vld [tilespmem:$0x1C0];
	_ =	sdelay $0x2  }
0x77: {  	v6 =	vld.idx.msk [tilespmem:v6+s18+$0x0], $0xffff;
	_ =	sdelay $0x4  }
0x78: {  	[tilespmem:v7+s31+$0x0] =	vst.idx.add.f32.msk $0xffff, v6  }
0x79: {  	_ =	swait.ge [sflag:s2], $0x2800  }
0x7a: {  	[sflag:s2] =	ssyncset.done $0x0  }
0x7b: {  	[sflag:s2] =	ssyncadd.s32 $0xFFFFD800  }
0x7c: {  	[spmem:s3] =	stream.indirect.scatter.add.f32 [tilespmem:s30], [sflag:$0x7], $0x80, s26, s23, $0xb8;
	[tilespmem:$0x1E200] =	vst v63  }
0x7d: {  	_ =	swait.ge [sflag:s19], $0x2800  }
0x7e: {  	[sflag:s19] =	ssyncset.done $0x0  }
0x7f: {  	s9 =	simm.s32 @!p0 $0x3;
	[sflag:s19] =	ssyncadd.s32 $0xFFFFD800  }
0x80: {  	_ =	swait.ge @!p0 [sflag:s9], $0x50  }
0x81: {  	[sflag:s9] =	ssyncset.done @!p0 $0x0  }
0x82: {  	[sflag:s9] =	ssyncadd.s32 @!p0 $0xFFFFFFB0;
	s9 =	simm.s32 @!p0 $0x4  }
0x83: {  	_ =	swait.ge @!p0 [sflag:s9], $0x50  }
0x84: {  	[sflag:s9] =	ssyncset.done @!p0 $0x0  }
0x85: {  	s11 =	simm.s32 @!p0 $0x200;
	[sflag:s9] =	ssyncadd.s32 @!p0 $0xFFFFFFB0;
	s9 =	simm.s32 @!p0 $0x50  }
0x86: {  	[tilespmem:s11], [sflag:$0x1] =	stream.indirect.gather @!p0 [hbm4b:s1+s9], $0x80, s10, s9, $0xb8;
	[tilespmem:$0x1E200] =	vst v63  }
0x87: {  	s9 =	sadd.s32 @!p0 s8, s15;
	s11 =	simm.s32 @!p0 $0x100  }
0x88: {  	[tilespmem:s11], [sflag:$0x5] =	stream.linear.gather @!p0 [hbm4b:s9+s10], $0x50, $0x38;
	[tilespmem:$0x1E200] =	vst v63  }
0x89: {  	s9 =	sadd.s32 @!p0 s8, s14;
	s8 =	sadd.s32 @!p0 $0x14, s8  }
0x8a: {  	s11 =	simm.s32 @!p0 $0x180;
	p1 =	sne.s32 @!p0 s8, $0x500  }
0x8b: {  	[tilespmem:s11], [sflag:$0x6] =	stream.linear.gather @!p0 [hbm4b:s9+s10], $0x50, $0x38;
	[tilespmem:$0x1E200] =	vst v63  }
0x8c: {  	p0 =	por p0, !p1  }
.Ltmp1:
0x8d: {  	_ = 	snop;
	(pc) =	sbr.rel @!p0 .LBB2_4-.Ltmp1, $1  }
0x8e: {  	_ =	sdelay $0x3  }
0x8f: {  	s8 =	simm.s32 $0xA180  }
0x90: {  	[spmem:s3] =	stream.indirect.scatter.add.f32 [tilespmem:s31], [sflag:$0x7], $0x80, s8, s23, $0xb8;
	[tilespmem:$0x1E200] =	vst v63  }
0x91: {  	_ =	swait.ge [sflag:s19], $0x2800  }
0x92: {  	s5 =	sadd.s32 $0x1, s5;
	[sflag:s19] =	ssyncset.done $0x0  }
0x93: {  	p0 =	sne.s32 s5, s13;
	[sflag:s19] =	ssyncadd.s32 $0xFFFFD800  }
.Ltmp2:
0x94: {  	[bflag:$0x0] =	sbarrier.arrive $0xFFFF;
	(pc) =	sbr.rel @p0 .LBB2_1-.Ltmp2, $4  }
0x95: {  	[hbm:s12], [sflag:s6] =	dma.local [spmem:s7], $0x2800  }
0x96: {  	_ =	swait.ge [sflag:s19], $0x2800  }
0x97: {  	[sflag:s19] =	ssyncset.done $0x0  }
0x98: {  	[sflag:s19] =	ssyncadd.s32 $0xFFFFD800  }
0x99: {  	_ =	sfence.sel $0x180000  }
0x9a: {  	[bflag:$0x0] =	sbarrier.arrive $0xFFFF  }
0x9b: {  	_ =	strace $0x90000047  }
0x9c: {  	s0 =	stileid.u32;
	[bflag:$0x2] =	sbarrier.arrive $0xFFFF  }
0x9d: {  	p0 =	sne.s32 s0, $0x0;
	s0 =	rddreg [dreg:$0x3]  }
0x9e: {  	s0 =	sadd.s32 @!p0 $0x100000, s0  }
0x9f: {  	[sflag:s0] =	ssyncadd.tile.s32 @!p0 $0x1;
	_ =	shalt  }
.Lfunc_end2:
_tile_overlayer_lowered:
.L_overlay_start_2:
0xa0: {  	(tag) =	ssettag $0x2  }
0xa1: {  	s0 =	rddreg [dreg:$0x0];
	s2 =	stileid.u32  }
0xa2: {  	s1 =	rddreg [dreg:$0x1];
	p0 =	sne.s32 s2, $0x0  }
0xa3: {  	s3 =	rddreg [dreg:$0x2];
	[bflag:$0x3] =	sbarrier.arrive $0xFFFF;
	s2 =	simm.s32 @!p0 $0x1C07  }
0xa4: {  	[timem:s3], [sflag:s2] =	dma.local @!p0 [hbm:s0], s1  }
0xa5: {  	s0 =	simm.s32 @!p0 $0x7  }
0xa6: {  	_ =	swait.ge @!p0 [sflag:s0], s1  }
0xa7: {  	s1 =	ssub.s32 @!p0 $0x0, s1;
	[sflag:s0] =	ssyncset.done @!p0 $0x0  }
0xa8: {  	[sflag:s0] =	ssyncadd.s32 @!p0 s1  }
0xa9: {  	[bflag:$0x3] =	sbarrier.arrive $0xFFFF  }
0xaa: {  	_ =	shalt  }

</sc_bundles>
